<compile_context>
chip_gen: v7x
topology: tpu7x:2x2x1
jax: 0.10.2.dev20260603
libtpu: 0.0.44.dev20260713+nightly
codegen_flags: <defaults>
</compile_context>

<pallas_src>
import functools

import jax
import jax.numpy as jnp
from jax import lax
from jax.experimental import pallas as pl
from jax.experimental.pallas import tpu as pltpu

_FM_H = 19
_FM_W = 19
_HW = _FM_H * _FM_W
_SCORE_FILTER_SIZE = (3, 2)
_SCORE_FILTER_NUM = (3, 3)
_PATCH_SIZE = (224, 112)
_NEG = float("-inf")
_NBUF = 4


def _shift(x, o, fill):
    if o == 0:
        return x
    n = x.shape[1]
    f = jnp.full((x.shape[0], abs(o)), fill, x.dtype)
    if o > 0:
        return jnp.concatenate([x[:, o:], f], axis=1)
    return jnp.concatenate([f, x[:, : n + o]], axis=1)


def _batched_nms(s_all, scale_ref, loc_ref, val_ref):
    bsz = s_all.shape[0]
    p_i = lax.broadcasted_iota(jnp.int32, (bsz, _HW), 1)
    row = p_i // _FM_W
    col = p_i % _FM_W

    sh = scale_ref[:, 0:1]
    sw = scale_ref[:, 1:2]
    smin = jnp.minimum(sh, sw)
    sb_hf = ((sh - smin) // 2).astype(jnp.float32)
    sb_wf = ((sw - smin) // 2).astype(jnp.float32)
    smin_f = smin.astype(jnp.float32)

    loc_cols = []
    val_cols = []
    for t in range(2):
        k = _SCORE_FILTER_SIZE[t]
        ps = _PATCH_SIZE[t]
        s = _FM_H - k + 1
        pooled = jnp.zeros((bsz, _HW), jnp.float32)
        for di in range(k):
            for dj in range(k):
                pooled = pooled + _shift(s_all, di * _FM_W + dj, 0.0)
        pooled = pooled / float(k * k)
        valid = (row < s) & (col < s)
        score = jnp.where(valid, pooled, _NEG)
        for _f in range(_SCORE_FILTER_NUM[t]):
            vmax = jnp.max(score, axis=1, keepdims=True)
            psel = jnp.min(jnp.where(score == vmax, p_i, _HW),
                           axis=1, keepdims=True)
            tp = jnp.full((bsz, _HW), _NEG, jnp.float32)
            for di in (-1, 0, 1):
                for dj in (-1, 0, 1):
                    nb_ = _shift(score, di * _FM_W + dj, _NEG)
                    okc = (col + dj >= 0) & (col + dj < _FM_W)
                    tp = jnp.maximum(tp, jnp.where(okc, nb_, _NEG))
            score = jnp.where((tp == vmax) & valid, 0.0, score)

            i = psel // _FM_W
            j = psel % _FM_W
            rate_h = (2.0 * i.astype(jnp.float32) + float(_FM_H - s + 1)) / (2.0 * _FM_H)
            rate_w = (2.0 * j.astype(jnp.float32) + float(_FM_W - s + 1)) / (2.0 * _FM_W)
            c_h = (sb_hf + smin_f * rate_h).astype(jnp.int32)
            c_w = (sb_wf + smin_f * rate_w).astype(jnp.int32)
            top = c_h - ps // 2
            bot = c_h + ps // 2 + ps % 2
            lef = c_w - ps // 2
            rig = c_w + ps // 2 + ps % 2
            below_h = jnp.minimum(top, 0)
            top = top - below_h
            bot = bot - below_h
            below_w = jnp.minimum(lef, 0)
            lef = lef - below_w
            rig = rig - below_w
            over_h = jnp.maximum(bot - sh, 0)
            top = jnp.maximum(top - over_h, 0)
            bot = bot - over_h
            over_w = jnp.maximum(rig - sw, 0)
            lef = jnp.maximum(lef - over_w, 0)
            rig = rig - over_w
            loc_cols.append(jnp.concatenate([top, lef, bot, rig], axis=1))
            val_cols.append(vmax)

    loc_ref[...] = jnp.concatenate(loc_cols, axis=1)
    val_ref[...] = jnp.concatenate(val_cols, axis=1)


def _body(fm_hbm, scale_ref, loc_ref, val_ref, bufs, sems, s_scratch,
          *, r_chunk):
    bsz = fm_hbm.shape[0]
    n_rows, n_lanes = fm_hbm.shape[1], fm_hbm.shape[2]
    n_fold = n_lanes // _HW
    n_chunks = n_rows // r_chunk

    def dma(i, slot):
        return pltpu.make_async_copy(fm_hbm.at[i], bufs.at[slot],
                                     sems.at[slot])

    for slot in range(_NBUF):
        dma(slot, slot).start()

    def group(g, _):
        for slot in range(_NBUF):
            i = g * _NBUF + slot
            dma(i, slot).wait()

            def red(cc, acc):
                return acc + bufs[slot, pl.ds(cc * r_chunk, r_chunk), :]

            acc = lax.fori_loop(0, n_chunks, red,
                                jnp.zeros((r_chunk, n_lanes), jnp.float32))
            acc1 = jnp.sum(acc, axis=0, keepdims=True)
            s361 = acc1[:, 0:_HW]
            for fj in range(1, n_fold):
                s361 = s361 + acc1[:, fj * _HW:(fj + 1) * _HW]
            s_scratch[pl.ds(i, 1), :] = s361

            nxt = i + _NBUF

            @pl.when(nxt < bsz)
            def _():
                dma(nxt, slot).start()
        return 0

    lax.fori_loop(0, bsz // _NBUF, group, 0)
    _batched_nms(s_scratch[...], scale_ref, loc_ref, val_ref)


@jax.jit
def kernel(fm, scale):
    b, c, h, w = fm.shape
    fm2 = fm.reshape(b, c // 2, 2 * h * w)

    loc, vals = pl.pallas_call(
        functools.partial(_body, r_chunk=8),
        in_specs=[
            pl.BlockSpec(memory_space=pl.ANY),
            pl.BlockSpec(memory_space=pltpu.MemorySpace.VMEM),
        ],
        out_specs=[
            pl.BlockSpec(memory_space=pltpu.MemorySpace.VMEM),
            pl.BlockSpec(memory_space=pltpu.MemorySpace.VMEM),
        ],
        out_shape=[
            jax.ShapeDtypeStruct((b, 24), jnp.int32),
            jax.ShapeDtypeStruct((b, 6), jnp.float32),
        ],
        scratch_shapes=[
            pltpu.VMEM((_NBUF, c // 2, 2 * h * w), jnp.float32),
            pltpu.SemaphoreType.DMA((_NBUF,)),
            pltpu.VMEM((b, _HW), jnp.float32),
        ],
    )(fm2, scale)
    return loc.reshape(b, 6, 4), vals.reshape(b, 6)

# --- scband reference (transcript-rebuilt; emitter-appended) ---
"""Pipeline reference for scband-patch5-model-74826920231386 (READ-ONLY COPY).

The authoritative reference and input builder live on the scoring server;
editing this copy changes nothing except your own understanding.
"""

import jax, jax.numpy as jnp
import numpy as np

SCORE_FILTER_SIZE = [3, 2]
SCORE_FILTER_NUM = [3, 3]
PATCH_SIZE = [224, 112]


def avg_pool2d(x, k):
    s = jax.lax.reduce_window(x, 0.0, jax.lax.add, (1, 1, k, k), (1, 1, 1, 1), 'VALID')
    return s / float(k * k)


def max_pool2d_pad1(x):
    return jax.lax.reduce_window(x, -jnp.inf, jax.lax.max, (1, 1, 3, 3), (1, 1, 1, 1),
                                 ((0, 0), (0, 0), (1, 1), (1, 1)))


def setup_inputs(seed: int = 0):
    key = jax.random.key(seed)
    fm = jax.random.normal(key, (32, 2048, 19, 19), dtype=jnp.float32)
    scale = jnp.full((32, 2), 608, dtype=jnp.int32)
    return {"fm": fm, "scale": scale}


def reference(fm, scale):
    B, C, fm_h, fm_w = fm.shape
    scale_min = jnp.min(scale, axis=1, keepdims=True)
    scale_base = (scale - scale_min) // 2
    loc_list = []
    val_list = []
    for t in range(2):
        k = SCORE_FILTER_SIZE[t]
        score_avg = avg_pool2d(fm, k)
        score_sum = jnp.sum(score_avg, axis=1, keepdims=True)
        s_h, s_w = score_sum.shape[2], score_sum.shape[3]
        ph = PATCH_SIZE[t]
        pw = PATCH_SIZE[t]
        for f in range(SCORE_FILTER_NUM[t]):
            flat = score_sum.reshape(B, -1)
            value_max = jnp.max(flat, axis=1)
            loc_flat = jnp.argmax(flat, axis=1)
            loc_h = loc_flat // s_w
            loc_w = loc_flat % s_w
            top_patch = max_pool2d_pad1(score_sum)
            erase = (top_patch != value_max.reshape(-1, 1, 1, 1)).astype(score_sum.dtype)
            score_sum = score_sum * erase
            loc_rate_h = (2 * loc_h + fm_h - s_h + 1) / (2.0 * fm_h)
            loc_rate_w = (2 * loc_w + fm_w - s_w + 1) / (2.0 * fm_w)
            loc_rate = jnp.stack([loc_rate_h, loc_rate_w], axis=1)
            loc_center = (scale_base.astype(jnp.float32) + scale_min.astype(jnp.float32) * loc_rate).astype(jnp.int32)
            loc_top = loc_center[:, 0] - ph // 2
            loc_bot = loc_center[:, 0] + ph // 2 + ph % 2
            loc_lef = loc_center[:, 1] - pw // 2
            loc_rig = loc_center[:, 1] + pw // 2 + pw % 2
            loc_tl = jnp.stack([loc_top, loc_lef], axis=1)
            loc_br = jnp.stack([loc_bot, loc_rig], axis=1)
            loc_below = jnp.minimum(loc_tl, 0)
            loc_br = loc_br - loc_below
            loc_tl = loc_tl - loc_below
            loc_over = jnp.maximum(loc_br - scale, 0)
            loc_tl = loc_tl - loc_over
            loc_br = loc_br - loc_over
            loc_tl = jnp.maximum(loc_tl, 0)
            loc_list.append(jnp.concatenate([loc_tl, loc_br], axis=1))
            val_list.append(value_max)
    input_loc_tensor = jnp.stack(loc_list, axis=1)
    values = jnp.stack(val_list, axis=1)
    return (input_loc_tensor, values)

if __name__ == "__main__":
    import jax
    _d = setup_inputs()
    print(jax.jit(kernel)(*tuple(_d.values())))

</pallas_src>

<mosaic_0001>
module attributes {stable_mosaic.version = 14 : i64} {
  func.func @_body(%arg0: memref<32x1024x722xf32, #tpu.memory_space<any>>, %arg1: memref<32x2xi32, #tpu.memory_space<vmem>>, %arg2: memref<32x24xi32, #tpu.memory_space<vmem>>, %arg3: memref<32x6xf32, #tpu.memory_space<vmem>>, %arg4: memref<4x1024x722xf32, #tpu.memory_space<vmem>>, %arg5: memref<4x!tpu.dma_semaphore, #tpu.memory_space<semaphore_mem>>, %arg6: memref<32x361xf32, #tpu.memory_space<vmem>>) attributes {dimension_semantics = [], scalar_prefetch = 0 : i64, scratch_operands = 3 : i64, tpu.core_type = #tpu.core_type<tc>} {
    %dma_start3A = arith.constant 0 : i32
    %dma_start3A_0 = arith.constant 0 : i32
    %dma_start3A_1 = arith.constant 0 : i32
    %dma_start3A_2 = tpu.memref_slice %arg5[%dma_start3A_1] : memref<4x!tpu.dma_semaphore, #tpu.memory_space<semaphore_mem>> -> memref<1x!tpu.dma_semaphore, #tpu.memory_space<semaphore_mem>>
    %dma_start3A_3 = tpu.memref_squeeze %dma_start3A_2 : memref<1x!tpu.dma_semaphore, #tpu.memory_space<semaphore_mem>> -> memref<!tpu.dma_semaphore, #tpu.memory_space<semaphore_mem>>
    %dma_start3A_4 = arith.constant 0 : i32
    %dma_start3A_5 = arith.constant 0 : i32
    %dma_start3A_6 = tpu.memref_slice %arg4[%dma_start3A_0, %dma_start3A_4, %dma_start3A_5] : memref<4x1024x722xf32, #tpu.memory_space<vmem>> -> memref<1x1024x722xf32, #tpu.memory_space<vmem>>
    %dma_start3A_7 = tpu.memref_squeeze %dma_start3A_6 : memref<1x1024x722xf32, #tpu.memory_space<vmem>> -> memref<1024x722xf32, #tpu.memory_space<vmem>>
    %dma_start3A_8 = arith.constant 0 : i32
    %dma_start3A_9 = arith.constant 0 : i32
    %dma_start3A_10 = tpu.memref_slice %arg0[%dma_start3A, %dma_start3A_8, %dma_start3A_9] : memref<32x1024x722xf32, #tpu.memory_space<any>> -> memref<1x1024x722xf32, #tpu.memory_space<any>>
    %dma_start3A_11 = tpu.memref_squeeze %dma_start3A_10 : memref<1x1024x722xf32, #tpu.memory_space<any>> -> memref<1024x722xf32, #tpu.memory_space<any>>
    tpu.enqueue_dma source(%dma_start3A_11 : memref<1024x722xf32, #tpu.memory_space<any>>) target(%dma_start3A_7 : memref<1024x722xf32, #tpu.memory_space<vmem>>) target_semaphore(%dma_start3A_3 : memref<!tpu.dma_semaphore, #tpu.memory_space<semaphore_mem>>)
    %dma_start3A_12 = arith.constant 1 : i32
    %dma_start3A_13 = arith.constant 1 : i32
    %dma_start3A_14 = arith.constant 1 : i32
    %dma_start3A_15 = tpu.memref_slice %arg5[%dma_start3A_14] : memref<4x!tpu.dma_semaphore, #tpu.memory_space<semaphore_mem>> -> memref<1x!tpu.dma_semaphore, #tpu.memory_space<semaphore_mem>>
    %dma_start3A_16 = tpu.memref_squeeze %dma_start3A_15 : memref<1x!tpu.dma_semaphore, #tpu.memory_space<semaphore_mem>> -> memref<!tpu.dma_semaphore, #tpu.memory_space<semaphore_mem>>
    %dma_start3A_17 = arith.constant 0 : i32
    %dma_start3A_18 = arith.constant 0 : i32
    %dma_start3A_19 = tpu.memref_slice %arg4[%dma_start3A_13, %dma_start3A_17, %dma_start3A_18] : memref<4x1024x722xf32, #tpu.memory_space<vmem>> -> memref<1x1024x722xf32, #tpu.memory_space<vmem>>
    %dma_start3A_20 = tpu.memref_squeeze %dma_start3A_19 : memref<1x1024x722xf32, #tpu.memory_space<vmem>> -> memref<1024x722xf32, #tpu.memory_space<vmem>>
    %dma_start3A_21 = arith.constant 0 : i32
    %dma_start3A_22 = arith.constant 0 : i32
    %dma_start3A_23 = tpu.memref_slice %arg0[%dma_start3A_12, %dma_start3A_21, %dma_start3A_22] : memref<32x1024x722xf32, #tpu.memory_space<any>> -> memref<1x1024x722xf32, #tpu.memory_space<any>>
    %dma_start3A_24 = tpu.memref_squeeze %dma_start3A_23 : memref<1x1024x722xf32, #tpu.memory_space<any>> -> memref<1024x722xf32, #tpu.memory_space<any>>
    tpu.enqueue_dma source(%dma_start3A_24 : memref<1024x722xf32, #tpu.memory_space<any>>) target(%dma_start3A_20 : memref<1024x722xf32, #tpu.memory_space<vmem>>) target_semaphore(%dma_start3A_16 : memref<!tpu.dma_semaphore, #tpu.memory_space<semaphore_mem>>)
    %dma_start3A_25 = arith.constant 2 : i32
    %dma_start3A_26 = arith.constant 2 : i32
    %dma_start3A_27 = arith.constant 2 : i32
    %dma_start3A_28 = tpu.memref_slice %arg5[%dma_start3A_27] : memref<4x!tpu.dma_semaphore, #tpu.memory_space<semaphore_mem>> -> memref<1x!tpu.dma_semaphore, #tpu.memory_space<semaphore_mem>>
    %dma_start3A_29 = tpu.memref_squeeze %dma_start3A_28 : memref<1x!tpu.dma_semaphore, #tpu.memory_space<semaphore_mem>> -> memref<!tpu.dma_semaphore, #tpu.memory_space<semaphore_mem>>
    %dma_start3A_30 = arith.constant 0 : i32
    %dma_start3A_31 = arith.constant 0 : i32
    %dma_start3A_32 = tpu.memref_slice %arg4[%dma_start3A_26, %dma_start3A_30, %dma_start3A_31] : memref<4x1024x722xf32, #tpu.memory_space<vmem>> -> memref<1x1024x722xf32, #tpu.memory_space<vmem>>
    %dma_start3A_33 = tpu.memref_squeeze %dma_start3A_32 : memref<1x1024x722xf32, #tpu.memory_space<vmem>> -> memref<1024x722xf32, #tpu.memory_space<vmem>>
    %dma_start3A_34 = arith.constant 0 : i32
    %dma_start3A_35 = arith.constant 0 : i32
    %dma_start3A_36 = tpu.memref_slice %arg0[%dma_start3A_25, %dma_start3A_34, %dma_start3A_35] : memref<32x1024x722xf32, #tpu.memory_space<any>> -> memref<1x1024x722xf32, #tpu.memory_space<any>>
    %dma_start3A_37 = tpu.memref_squeeze %dma_start3A_36 : memref<1x1024x722xf32, #tpu.memory_space<any>> -> memref<1024x722xf32, #tpu.memory_space<any>>
    tpu.enqueue_dma source(%dma_start3A_37 : memref<1024x722xf32, #tpu.memory_space<any>>) target(%dma_start3A_33 : memref<1024x722xf32, #tpu.memory_space<vmem>>) target_semaphore(%dma_start3A_29 : memref<!tpu.dma_semaphore, #tpu.memory_space<semaphore_mem>>)
    %dma_start3A_38 = arith.constant 3 : i32
    %dma_start3A_39 = arith.constant 3 : i32
    %dma_start3A_40 = arith.constant 3 : i32
    %dma_start3A_41 = tpu.memref_slice %arg5[%dma_start3A_40] : memref<4x!tpu.dma_semaphore, #tpu.memory_space<semaphore_mem>> -> memref<1x!tpu.dma_semaphore, #tpu.memory_space<semaphore_mem>>
    %dma_start3A_42 = tpu.memref_squeeze %dma_start3A_41 : memref<1x!tpu.dma_semaphore, #tpu.memory_space<semaphore_mem>> -> memref<!tpu.dma_semaphore, #tpu.memory_space<semaphore_mem>>
    %dma_start3A_43 = arith.constant 0 : i32
    %dma_start3A_44 = arith.constant 0 : i32
    %dma_start3A_45 = tpu.memref_slice %arg4[%dma_start3A_39, %dma_start3A_43, %dma_start3A_44] : memref<4x1024x722xf32, #tpu.memory_space<vmem>> -> memref<1x1024x722xf32, #tpu.memory_space<vmem>>
    %dma_start3A_46 = tpu.memref_squeeze %dma_start3A_45 : memref<1x1024x722xf32, #tpu.memory_space<vmem>> -> memref<1024x722xf32, #tpu.memory_space<vmem>>
    %dma_start3A_47 = arith.constant 0 : i32
    %dma_start3A_48 = arith.constant 0 : i32
    %dma_start3A_49 = tpu.memref_slice %arg0[%dma_start3A_38, %dma_start3A_47, %dma_start3A_48] : memref<32x1024x722xf32, #tpu.memory_space<any>> -> memref<1x1024x722xf32, #tpu.memory_space<any>>
    %dma_start3A_50 = tpu.memref_squeeze %dma_start3A_49 : memref<1x1024x722xf32, #tpu.memory_space<any>> -> memref<1024x722xf32, #tpu.memory_space<any>>
    tpu.enqueue_dma source(%dma_start3A_50 : memref<1024x722xf32, #tpu.memory_space<any>>) target(%dma_start3A_46 : memref<1024x722xf32, #tpu.memory_space<vmem>>) target_semaphore(%dma_start3A_42 : memref<!tpu.dma_semaphore, #tpu.memory_space<semaphore_mem>>)
    %scan3A = arith.constant 0 : i32
    %scan3A_51 = arith.constant 8 : i32
    %scan3A_52 = arith.addi %scan3A, %scan3A_51 : i32
    %scan3A_53 = arith.constant 1 : i32
    scf.for %scan3A_1851 = %scan3A to %scan3A_52 step %scan3A_53  : i32 {
      %mul3A_1852 = arith.constant 4 : i32
      %mul3A_1853 = arith.muli %scan3A_1851, %mul3A_1852 : i32
      %add3A_1854 = arith.constant 0 : i32
      %add3A_1855 = arith.addi %mul3A_1853, %add3A_1854 : i32
      %dma_wait3A = arith.constant 0 : i32
      %dma_wait3A_1856 = arith.constant 0 : i32
      %dma_wait3A_1857 = tpu.memref_slice %arg5[%dma_wait3A_1856] : memref<4x!tpu.dma_semaphore, #tpu.memory_space<semaphore_mem>> -> memref<1x!tpu.dma_semaphore, #tpu.memory_space<semaphore_mem>>
      %dma_wait3A_1858 = tpu.memref_squeeze %dma_wait3A_1857 : memref<1x!tpu.dma_semaphore, #tpu.memory_space<semaphore_mem>> -> memref<!tpu.dma_semaphore, #tpu.memory_space<semaphore_mem>>
      %dma_wait3A_1859 = arith.constant 0 : i32
      %dma_wait3A_1860 = arith.constant 0 : i32
      %dma_wait3A_1861 = tpu.memref_slice %arg4[%dma_wait3A, %dma_wait3A_1859, %dma_wait3A_1860] : memref<4x1024x722xf32, #tpu.memory_space<vmem>> -> memref<1x1024x722xf32, #tpu.memory_space<vmem>>
      %dma_wait3A_1862 = tpu.memref_squeeze %dma_wait3A_1861 : memref<1x1024x722xf32, #tpu.memory_space<vmem>> -> memref<1024x722xf32, #tpu.memory_space<vmem>>
      %dma_wait3A_1863 = arith.constant 0 : i32
      %dma_wait3A_1864 = arith.constant 0 : i32
      %dma_wait3A_1865 = tpu.memref_slice %arg0[%add3A_1855, %dma_wait3A_1863, %dma_wait3A_1864] : memref<32x1024x722xf32, #tpu.memory_space<any>> -> memref<1x1024x722xf32, #tpu.memory_space<any>>
      %dma_wait3A_1866 = tpu.memref_squeeze %dma_wait3A_1865 : memref<1x1024x722xf32, #tpu.memory_space<any>> -> memref<1024x722xf32, #tpu.memory_space<any>>
      tpu.wait_dma2 semaphore(%dma_wait3A_1858 : memref<!tpu.dma_semaphore, #tpu.memory_space<semaphore_mem>>) src(%dma_wait3A_1866 : memref<1024x722xf32, #tpu.memory_space<any>>) dst(%dma_wait3A_1862 : memref<1024x722xf32, #tpu.memory_space<vmem>>)
      %broadcast_in_dim3A_1867 = arith.constant 0.000000e+00 : f32
      %broadcast_in_dim3A_1868 = vector.broadcast %broadcast_in_dim3A_1867 : f32 to vector<8x722xf32>
      %scan3A_1869 = arith.constant 0 : i32
      %scan3A_1870 = arith.constant 128 : i32
      %scan3A_1871 = arith.addi %scan3A_1869, %scan3A_1870 : i32
      %scan3A_1872 = arith.constant 1 : i32
      %scan3A_1873 = scf.for %scan3A_2009 = %scan3A_1869 to %scan3A_1871 step %scan3A_1872 iter_args(%scan3A_2010 = %broadcast_in_dim3A_1868) -> (vector<8x722xf32>)  : i32 {
        %mul3A_2011 = arith.constant 8 : i32
        %mul3A_2012 = arith.muli %scan3A_2009, %mul3A_2011 : i32
        %get3A_2013 = arith.constant 0 : index
        %get3A_2014 = arith.index_cast %mul3A_2012 : i32 to index
        %get3A_2015 = arith.constant 0 : index
        %get3A_2016 = vector.load %arg4[%get3A_2013, %get3A_2014, %get3A_2015] : memref<4x1024x722xf32, #tpu.memory_space<vmem>>, vector<1x8x722xf32>
        %get3A_2017 = vector.shape_cast %get3A_2016 : vector<1x8x722xf32> to vector<8x722xf32>
        %add3A_2018 = arith.addf %scan3A_2010, %get3A_2017 : vector<8x722xf32>
        scf.yield %add3A_2018 : vector<8x722xf32>
      }
      %scan3A_1874 = arith.constant 128 : i32
      %reduce_sum3A = arith.constant dense<0.000000e+00> : vector<722xf32>
      %reduce_sum3A_1875 = vector.multi_reduction <add>, %scan3A_1873, %reduce_sum3A [0] : vector<8x722xf32> to vector<722xf32>
      %broadcast_in_dim3A_1876 = vector.shape_cast %reduce_sum3A_1875 : vector<722xf32> to vector<1x722xf32>
      %slice3A_1877 = vector.extract_strided_slice %broadcast_in_dim3A_1876 {offsets = [0, 0], sizes = [1, 361], strides = [1, 1]} : vector<1x722xf32> to vector<1x361xf32>
      %slice3A_1878 = vector.extract_strided_slice %broadcast_in_dim3A_1876 {offsets = [0, 361], sizes = [1, 361], strides = [1, 1]} : vector<1x722xf32> to vector<1x361xf32>
      %add3A_1879 = arith.addf %slice3A_1877, %slice3A_1878 : vector<1x361xf32>
      %swap3A_1880 = arith.index_cast %add3A_1855 : i32 to index
      %swap3A_1881 = arith.constant 0 : index
      %swap3A_1882 = vector.load %arg6[%swap3A_1880, %swap3A_1881] : memref<32x361xf32, #tpu.memory_space<vmem>>, vector<1x361xf32>
      tpu.vector_store %arg6[%swap3A_1880, %swap3A_1881], %add3A_1879 {strides = array<i32>} : memref<32x361xf32, #tpu.memory_space<vmem>>, vector<1x361xf32>,
      %add3A_1883 = arith.constant 4 : i32
      %add3A_1884 = arith.addi %add3A_1855, %add3A_1883 : i32
      %lt3A_1885 = arith.constant 32 : i32
      %lt3A_1886 = arith.cmpi slt, %add3A_1884, %lt3A_1885 : i32
      %convert_element_type3A_1887 = arith.extui %lt3A_1886 : i1 to i32
      %cond3A = arith.constant 0 : i32
      %cond3A_1888 = arith.cmpi ne, %convert_element_type3A_1887, %cond3A : i32
      scf.if %cond3A_1888 {
        %dma_start3A_2009 = arith.constant 0 : i32
        %dma_start3A_2010 = arith.constant 0 : i32
        %dma_start3A_2011 = tpu.memref_slice %arg5[%dma_start3A_2010] : memref<4x!tpu.dma_semaphore, #tpu.memory_space<semaphore_mem>> -> memref<1x!tpu.dma_semaphore, #tpu.memory_space<semaphore_mem>>
        %dma_start3A_2012 = tpu.memref_squeeze %dma_start3A_2011 : memref<1x!tpu.dma_semaphore, #tpu.memory_space<semaphore_mem>> -> memref<!tpu.dma_semaphore, #tpu.memory_space<semaphore_mem>>
        %dma_start3A_2013 = arith.constant 0 : i32
        %dma_start3A_2014 = arith.constant 0 : i32
        %dma_start3A_2015 = tpu.memref_slice %arg4[%dma_start3A_2009, %dma_start3A_2013, %dma_start3A_2014] : memref<4x1024x722xf32, #tpu.memory_space<vmem>> -> memref<1x1024x722xf32, #tpu.memory_space<vmem>>
        %dma_start3A_2016 = tpu.memref_squeeze %dma_start3A_2015 : memref<1x1024x722xf32, #tpu.memory_space<vmem>> -> memref<1024x722xf32, #tpu.memory_space<vmem>>
        %dma_start3A_2017 = arith.constant 0 : i32
        %dma_start3A_2018 = arith.constant 0 : i32
        %dma_start3A_2019 = tpu.memref_slice %arg0[%add3A_1884, %dma_start3A_2017, %dma_start3A_2018] : memref<32x1024x722xf32, #tpu.memory_space<any>> -> memref<1x1024x722xf32, #tpu.memory_space<any>>
        %dma_start3A_2020 = tpu.memref_squeeze %dma_start3A_2019 : memref<1x1024x722xf32, #tpu.memory_space<any>> -> memref<1024x722xf32, #tpu.memory_space<any>>
        tpu.enqueue_dma source(%dma_start3A_2020 : memref<1024x722xf32, #tpu.memory_space<any>>) target(%dma_start3A_2016 : memref<1024x722xf32, #tpu.memory_space<vmem>>) target_semaphore(%dma_start3A_2012 : memref<!tpu.dma_semaphore, #tpu.memory_space<semaphore_mem>>)
      } else {
      }
      %mul3A_1889 = arith.constant 4 : i32
      %mul3A_1890 = arith.muli %scan3A_1851, %mul3A_1889 : i32
      %add3A_1891 = arith.constant 1 : i32
      %add3A_1892 = arith.addi %mul3A_1890, %add3A_1891 : i32
      %dma_wait3A_1893 = arith.constant 1 : i32
      %dma_wait3A_1894 = arith.constant 1 : i32
      %dma_wait3A_1895 = tpu.memref_slice %arg5[%dma_wait3A_1894] : memref<4x!tpu.dma_semaphore, #tpu.memory_space<semaphore_mem>> -> memref<1x!tpu.dma_semaphore, #tpu.memory_space<semaphore_mem>>
      %dma_wait3A_1896 = tpu.memref_squeeze %dma_wait3A_1895 : memref<1x!tpu.dma_semaphore, #tpu.memory_space<semaphore_mem>> -> memref<!tpu.dma_semaphore, #tpu.memory_space<semaphore_mem>>
      %dma_wait3A_1897 = arith.constant 0 : i32
      %dma_wait3A_1898 = arith.constant 0 : i32
      %dma_wait3A_1899 = tpu.memref_slice %arg4[%dma_wait3A_1893, %dma_wait3A_1897, %dma_wait3A_1898] : memref<4x1024x722xf32, #tpu.memory_space<vmem>> -> memref<1x1024x722xf32, #tpu.memory_space<vmem>>
      %dma_wait3A_1900 = tpu.memref_squeeze %dma_wait3A_1899 : memref<1x1024x722xf32, #tpu.memory_space<vmem>> -> memref<1024x722xf32, #tpu.memory_space<vmem>>
      %dma_wait3A_1901 = arith.constant 0 : i32
      %dma_wait3A_1902 = arith.constant 0 : i32
      %dma_wait3A_1903 = tpu.memref_slice %arg0[%add3A_1892, %dma_wait3A_1901, %dma_wait3A_1902] : memref<32x1024x722xf32, #tpu.memory_space<any>> -> memref<1x1024x722xf32, #tpu.memory_space<any>>
      %dma_wait3A_1904 = tpu.memref_squeeze %dma_wait3A_1903 : memref<1x1024x722xf32, #tpu.memory_space<any>> -> memref<1024x722xf32, #tpu.memory_space<any>>
      tpu.wait_dma2 semaphore(%dma_wait3A_1896 : memref<!tpu.dma_semaphore, #tpu.memory_space<semaphore_mem>>) src(%dma_wait3A_1904 : memref<1024x722xf32, #tpu.memory_space<any>>) dst(%dma_wait3A_1900 : memref<1024x722xf32, #tpu.memory_space<vmem>>)
      %broadcast_in_dim3A_1905 = arith.constant 0.000000e+00 : f32
      %broadcast_in_dim3A_1906 = vector.broadcast %broadcast_in_dim3A_1905 : f32 to vector<8x722xf32>
      %scan3A_1907 = arith.constant 0 : i32
      %scan3A_1908 = arith.constant 128 : i32
      %scan3A_1909 = arith.addi %scan3A_1907, %scan3A_1908 : i32
      %scan3A_1910 = arith.constant 1 : i32
      %scan3A_1911 = scf.for %scan3A_2009 = %scan3A_1907 to %scan3A_1909 step %scan3A_1910 iter_args(%scan3A_2010 = %broadcast_in_dim3A_1906) -> (vector<8x722xf32>)  : i32 {
        %mul3A_2011 = arith.constant 8 : i32
        %mul3A_2012 = arith.muli %scan3A_2009, %mul3A_2011 : i32
        %get3A_2013 = arith.constant 1 : index
        %get3A_2014 = arith.index_cast %mul3A_2012 : i32 to index
        %get3A_2015 = arith.constant 0 : index
        %get3A_2016 = vector.load %arg4[%get3A_2013, %get3A_2014, %get3A_2015] : memref<4x1024x722xf32, #tpu.memory_space<vmem>>, vector<1x8x722xf32>
        %get3A_2017 = vector.shape_cast %get3A_2016 : vector<1x8x722xf32> to vector<8x722xf32>
        %add3A_2018 = arith.addf %scan3A_2010, %get3A_2017 : vector<8x722xf32>
        scf.yield %add3A_2018 : vector<8x722xf32>
      }
      %scan3A_1912 = arith.constant 128 : i32
      %reduce_sum3A_1913 = arith.constant dense<0.000000e+00> : vector<722xf32>
      %reduce_sum3A_1914 = vector.multi_reduction <add>, %scan3A_1911, %reduce_sum3A_1913 [0] : vector<8x722xf32> to vector<722xf32>
      %broadcast_in_dim3A_1915 = vector.shape_cast %reduce_sum3A_1914 : vector<722xf32> to vector<1x722xf32>
      %slice3A_1916 = vector.extract_strided_slice %broadcast_in_dim3A_1915 {offsets = [0, 0], sizes = [1, 361], strides = [1, 1]} : vector<1x722xf32> to vector<1x361xf32>
      %slice3A_1917 = vector.extract_strided_slice %broadcast_in_dim3A_1915 {offsets = [0, 361], sizes = [1, 361], strides = [1, 1]} : vector<1x722xf32> to vector<1x361xf32>
      %add3A_1918 = arith.addf %slice3A_1916, %slice3A_1917 : vector<1x361xf32>
      %swap3A_1919 = arith.index_cast %add3A_1892 : i32 to index
      %swap3A_1920 = arith.constant 0 : index
      %swap3A_1921 = vector.load %arg6[%swap3A_1919, %swap3A_1920] : memref<32x361xf32, #tpu.memory_space<vmem>>, vector<1x361xf32>
      tpu.vector_store %arg6[%swap3A_1919, %swap3A_1920], %add3A_1918 {strides = array<i32>} : memref<32x361xf32, #tpu.memory_space<vmem>>, vector<1x361xf32>,
      %add3A_1922 = arith.constant 4 : i32
      %add3A_1923 = arith.addi %add3A_1892, %add3A_1922 : i32
      %lt3A_1924 = arith.constant 32 : i32
      %lt3A_1925 = arith.cmpi slt, %add3A_1923, %lt3A_1924 : i32
      %convert_element_type3A_1926 = arith.extui %lt3A_1925 : i1 to i32
      %cond3A_1927 = arith.constant 0 : i32
      %cond3A_1928 = arith.cmpi ne, %convert_element_type3A_1926, %cond3A_1927 : i32
      scf.if %cond3A_1928 {
        %dma_start3A_2009 = arith.constant 1 : i32
        %dma_start3A_2010 = arith.constant 1 : i32
        %dma_start3A_2011 = tpu.memref_slice %arg5[%dma_start3A_2010] : memref<4x!tpu.dma_semaphore, #tpu.memory_space<semaphore_mem>> -> memref<1x!tpu.dma_semaphore, #tpu.memory_space<semaphore_mem>>
        %dma_start3A_2012 = tpu.memref_squeeze %dma_start3A_2011 : memref<1x!tpu.dma_semaphore, #tpu.memory_space<semaphore_mem>> -> memref<!tpu.dma_semaphore, #tpu.memory_space<semaphore_mem>>
        %dma_start3A_2013 = arith.constant 0 : i32
        %dma_start3A_2014 = arith.constant 0 : i32
        %dma_start3A_2015 = tpu.memref_slice %arg4[%dma_start3A_2009, %dma_start3A_2013, %dma_start3A_2014] : memref<4x1024x722xf32, #tpu.memory_space<vmem>> -> memref<1x1024x722xf32, #tpu.memory_space<vmem>>
        %dma_start3A_2016 = tpu.memref_squeeze %dma_start3A_2015 : memref<1x1024x722xf32, #tpu.memory_space<vmem>> -> memref<1024x722xf32, #tpu.memory_space<vmem>>
        %dma_start3A_2017 = arith.constant 0 : i32
        %dma_start3A_2018 = arith.constant 0 : i32
        %dma_start3A_2019 = tpu.memref_slice %arg0[%add3A_1923, %dma_start3A_2017, %dma_start3A_2018] : memref<32x1024x722xf32, #tpu.memory_space<any>> -> memref<1x1024x722xf32, #tpu.memory_space<any>>
        %dma_start3A_2020 = tpu.memref_squeeze %dma_start3A_2019 : memref<1x1024x722xf32, #tpu.memory_space<any>> -> memref<1024x722xf32, #tpu.memory_space<any>>
        tpu.enqueue_dma source(%dma_start3A_2020 : memref<1024x722xf32, #tpu.memory_space<any>>) target(%dma_start3A_2016 : memref<1024x722xf32, #tpu.memory_space<vmem>>) target_semaphore(%dma_start3A_2012 : memref<!tpu.dma_semaphore, #tpu.memory_space<semaphore_mem>>)
      } else {
      }
      %mul3A_1929 = arith.constant 4 : i32
      %mul3A_1930 = arith.muli %scan3A_1851, %mul3A_1929 : i32
      %add3A_1931 = arith.constant 2 : i32
      %add3A_1932 = arith.addi %mul3A_1930, %add3A_1931 : i32
      %dma_wait3A_1933 = arith.constant 2 : i32
      %dma_wait3A_1934 = arith.constant 2 : i32
      %dma_wait3A_1935 = tpu.memref_slice %arg5[%dma_wait3A_1934] : memref<4x!tpu.dma_semaphore, #tpu.memory_space<semaphore_mem>> -> memref<1x!tpu.dma_semaphore, #tpu.memory_space<semaphore_mem>>
      %dma_wait3A_1936 = tpu.memref_squeeze %dma_wait3A_1935 : memref<1x!tpu.dma_semaphore, #tpu.memory_space<semaphore_mem>> -> memref<!tpu.dma_semaphore, #tpu.memory_space<semaphore_mem>>
      %dma_wait3A_1937 = arith.constant 0 : i32
      %dma_wait3A_1938 = arith.constant 0 : i32
      %dma_wait3A_1939 = tpu.memref_slice %arg4[%dma_wait3A_1933, %dma_wait3A_1937, %dma_wait3A_1938] : memref<4x1024x722xf32, #tpu.memory_space<vmem>> -> memref<1x1024x722xf32, #tpu.memory_space<vmem>>
      %dma_wait3A_1940 = tpu.memref_squeeze %dma_wait3A_1939 : memref<1x1024x722xf32, #tpu.memory_space<vmem>> -> memref<1024x722xf32, #tpu.memory_space<vmem>>
      %dma_wait3A_1941 = arith.constant 0 : i32
      %dma_wait3A_1942 = arith.constant 0 : i32
      %dma_wait3A_1943 = tpu.memref_slice %arg0[%add3A_1932, %dma_wait3A_1941, %dma_wait3A_1942] : memref<32x1024x722xf32, #tpu.memory_space<any>> -> memref<1x1024x722xf32, #tpu.memory_space<any>>
      %dma_wait3A_1944 = tpu.memref_squeeze %dma_wait3A_1943 : memref<1x1024x722xf32, #tpu.memory_space<any>> -> memref<1024x722xf32, #tpu.memory_space<any>>
      tpu.wait_dma2 semaphore(%dma_wait3A_1936 : memref<!tpu.dma_semaphore, #tpu.memory_space<semaphore_mem>>) src(%dma_wait3A_1944 : memref<1024x722xf32, #tpu.memory_space<any>>) dst(%dma_wait3A_1940 : memref<1024x722xf32, #tpu.memory_space<vmem>>)
      %broadcast_in_dim3A_1945 = arith.constant 0.000000e+00 : f32
      %broadcast_in_dim3A_1946 = vector.broadcast %broadcast_in_dim3A_1945 : f32 to vector<8x722xf32>
      %scan3A_1947 = arith.constant 0 : i32
      %scan3A_1948 = arith.constant 128 : i32
      %scan3A_1949 = arith.addi %scan3A_1947, %scan3A_1948 : i32
      %scan3A_1950 = arith.constant 1 : i32
      %scan3A_1951 = scf.for %scan3A_2009 = %scan3A_1947 to %scan3A_1949 step %scan3A_1950 iter_args(%scan3A_2010 = %broadcast_in_dim3A_1946) -> (vector<8x722xf32>)  : i32 {
        %mul3A_2011 = arith.constant 8 : i32
        %mul3A_2012 = arith.muli %scan3A_2009, %mul3A_2011 : i32
        %get3A_2013 = arith.constant 2 : index
        %get3A_2014 = arith.index_cast %mul3A_2012 : i32 to index
        %get3A_2015 = arith.constant 0 : index
        %get3A_2016 = vector.load %arg4[%get3A_2013, %get3A_2014, %get3A_2015] : memref<4x1024x722xf32, #tpu.memory_space<vmem>>, vector<1x8x722xf32>
        %get3A_2017 = vector.shape_cast %get3A_2016 : vector<1x8x722xf32> to vector<8x722xf32>
        %add3A_2018 = arith.addf %scan3A_2010, %get3A_2017 : vector<8x722xf32>
        scf.yield %add3A_2018 : vector<8x722xf32>
      }
      %scan3A_1952 = arith.constant 128 : i32
      %reduce_sum3A_1953 = arith.constant dense<0.000000e+00> : vector<722xf32>
      %reduce_sum3A_1954 = vector.multi_reduction <add>, %scan3A_1951, %reduce_sum3A_1953 [0] : vector<8x722xf32> to vector<722xf32>
      %broadcast_in_dim3A_1955 = vector.shape_cast %reduce_sum3A_1954 : vector<722xf32> to vector<1x722xf32>
      %slice3A_1956 = vector.extract_strided_slice %broadcast_in_dim3A_1955 {offsets = [0, 0], sizes = [1, 361], strides = [1, 1]} : vector<1x722xf32> to vector<1x361xf32>
      %slice3A_1957 = vector.extract_strided_slice %broadcast_in_dim3A_1955 {offsets = [0, 361], sizes = [1, 361], strides = [1, 1]} : vector<1x722xf32> to vector<1x361xf32>
      %add3A_1958 = arith.addf %slice3A_1956, %slice3A_1957 : vector<1x361xf32>
      %swap3A_1959 = arith.index_cast %add3A_1932 : i32 to index
      %swap3A_1960 = arith.constant 0 : index
      %swap3A_1961 = vector.load %arg6[%swap3A_1959, %swap3A_1960] : memref<32x361xf32, #tpu.memory_space<vmem>>, vector<1x361xf32>
      tpu.vector_store %arg6[%swap3A_1959, %swap3A_1960], %add3A_1958 {strides = array<i32>} : memref<32x361xf32, #tpu.memory_space<vmem>>, vector<1x361xf32>,
      %add3A_1962 = arith.constant 4 : i32
      %add3A_1963 = arith.addi %add3A_1932, %add3A_1962 : i32
      %lt3A_1964 = arith.constant 32 : i32
      %lt3A_1965 = arith.cmpi slt, %add3A_1963, %lt3A_1964 : i32
      %convert_element_type3A_1966 = arith.extui %lt3A_1965 : i1 to i32
      %cond3A_1967 = arith.constant 0 : i32
      %cond3A_1968 = arith.cmpi ne, %convert_element_type3A_1966, %cond3A_1967 : i32
      scf.if %cond3A_1968 {
        %dma_start3A_2009 = arith.constant 2 : i32
        %dma_start3A_2010 = arith.constant 2 : i32
        %dma_start3A_2011 = tpu.memref_slice %arg5[%dma_start3A_2010] : memref<4x!tpu.dma_semaphore, #tpu.memory_space<semaphore_mem>> -> memref<1x!tpu.dma_semaphore, #tpu.memory_space<semaphore_mem>>
        %dma_start3A_2012 = tpu.memref_squeeze %dma_start3A_2011 : memref<1x!tpu.dma_semaphore, #tpu.memory_space<semaphore_mem>> -> memref<!tpu.dma_semaphore, #tpu.memory_space<semaphore_mem>>
        %dma_start3A_2013 = arith.constant 0 : i32
        %dma_start3A_2014 = arith.constant 0 : i32
        %dma_start3A_2015 = tpu.memref_slice %arg4[%dma_start3A_2009, %dma_start3A_2013, %dma_start3A_2014] : memref<4x1024x722xf32, #tpu.memory_space<vmem>> -> memref<1x1024x722xf32, #tpu.memory_space<vmem>>
        %dma_start3A_2016 = tpu.memref_squeeze %dma_start3A_2015 : memref<1x1024x722xf32, #tpu.memory_space<vmem>> -> memref<1024x722xf32, #tpu.memory_space<vmem>>
        %dma_start3A_2017 = arith.constant 0 : i32
        %dma_start3A_2018 = arith.constant 0 : i32
        %dma_start3A_2019 = tpu.memref_slice %arg0[%add3A_1963, %dma_start3A_2017, %dma_start3A_2018] : memref<32x1024x722xf32, #tpu.memory_space<any>> -> memref<1x1024x722xf32, #tpu.memory_space<any>>
        %dma_start3A_2020 = tpu.memref_squeeze %dma_start3A_2019 : memref<1x1024x722xf32, #tpu.memory_space<any>> -> memref<1024x722xf32, #tpu.memory_space<any>>
        tpu.enqueue_dma source(%dma_start3A_2020 : memref<1024x722xf32, #tpu.memory_space<any>>) target(%dma_start3A_2016 : memref<1024x722xf32, #tpu.memory_space<vmem>>) target_semaphore(%dma_start3A_2012 : memref<!tpu.dma_semaphore, #tpu.memory_space<semaphore_mem>>)
      } else {
      }
      %mul3A_1969 = arith.constant 4 : i32
      %mul3A_1970 = arith.muli %scan3A_1851, %mul3A_1969 : i32
      %add3A_1971 = arith.constant 3 : i32
      %add3A_1972 = arith.addi %mul3A_1970, %add3A_1971 : i32
      %dma_wait3A_1973 = arith.constant 3 : i32
      %dma_wait3A_1974 = arith.constant 3 : i32
      %dma_wait3A_1975 = tpu.memref_slice %arg5[%dma_wait3A_1974] : memref<4x!tpu.dma_semaphore, #tpu.memory_space<semaphore_mem>> -> memref<1x!tpu.dma_semaphore, #tpu.memory_space<semaphore_mem>>
      %dma_wait3A_1976 = tpu.memref_squeeze %dma_wait3A_1975 : memref<1x!tpu.dma_semaphore, #tpu.memory_space<semaphore_mem>> -> memref<!tpu.dma_semaphore, #tpu.memory_space<semaphore_mem>>
      %dma_wait3A_1977 = arith.constant 0 : i32
      %dma_wait3A_1978 = arith.constant 0 : i32
      %dma_wait3A_1979 = tpu.memref_slice %arg4[%dma_wait3A_1973, %dma_wait3A_1977, %dma_wait3A_1978] : memref<4x1024x722xf32, #tpu.memory_space<vmem>> -> memref<1x1024x722xf32, #tpu.memory_space<vmem>>
      %dma_wait3A_1980 = tpu.memref_squeeze %dma_wait3A_1979 : memref<1x1024x722xf32, #tpu.memory_space<vmem>> -> memref<1024x722xf32, #tpu.memory_space<vmem>>
      %dma_wait3A_1981 = arith.constant 0 : i32
      %dma_wait3A_1982 = arith.constant 0 : i32
      %dma_wait3A_1983 = tpu.memref_slice %arg0[%add3A_1972, %dma_wait3A_1981, %dma_wait3A_1982] : memref<32x1024x722xf32, #tpu.memory_space<any>> -> memref<1x1024x722xf32, #tpu.memory_space<any>>
      %dma_wait3A_1984 = tpu.memref_squeeze %dma_wait3A_1983 : memref<1x1024x722xf32, #tpu.memory_space<any>> -> memref<1024x722xf32, #tpu.memory_space<any>>
      tpu.wait_dma2 semaphore(%dma_wait3A_1976 : memref<!tpu.dma_semaphore, #tpu.memory_space<semaphore_mem>>) src(%dma_wait3A_1984 : memref<1024x722xf32, #tpu.memory_space<any>>) dst(%dma_wait3A_1980 : memref<1024x722xf32, #tpu.memory_space<vmem>>)
      %broadcast_in_dim3A_1985 = arith.constant 0.000000e+00 : f32
      %broadcast_in_dim3A_1986 = vector.broadcast %broadcast_in_dim3A_1985 : f32 to vector<8x722xf32>
      %scan3A_1987 = arith.constant 0 : i32
      %scan3A_1988 = arith.constant 128 : i32
      %scan3A_1989 = arith.addi %scan3A_1987, %scan3A_1988 : i32
      %scan3A_1990 = arith.constant 1 : i32
      %scan3A_1991 = scf.for %scan3A_2009 = %scan3A_1987 to %scan3A_1989 step %scan3A_1990 iter_args(%scan3A_2010 = %broadcast_in_dim3A_1986) -> (vector<8x722xf32>)  : i32 {
        %mul3A_2011 = arith.constant 8 : i32
        %mul3A_2012 = arith.muli %scan3A_2009, %mul3A_2011 : i32
        %get3A_2013 = arith.constant 3 : index
        %get3A_2014 = arith.index_cast %mul3A_2012 : i32 to index
        %get3A_2015 = arith.constant 0 : index
        %get3A_2016 = vector.load %arg4[%get3A_2013, %get3A_2014, %get3A_2015] : memref<4x1024x722xf32, #tpu.memory_space<vmem>>, vector<1x8x722xf32>
        %get3A_2017 = vector.shape_cast %get3A_2016 : vector<1x8x722xf32> to vector<8x722xf32>
        %add3A_2018 = arith.addf %scan3A_2010, %get3A_2017 : vector<8x722xf32>
        scf.yield %add3A_2018 : vector<8x722xf32>
      }
      %scan3A_1992 = arith.constant 128 : i32
      %reduce_sum3A_1993 = arith.constant dense<0.000000e+00> : vector<722xf32>
      %reduce_sum3A_1994 = vector.multi_reduction <add>, %scan3A_1991, %reduce_sum3A_1993 [0] : vector<8x722xf32> to vector<722xf32>
      %broadcast_in_dim3A_1995 = vector.shape_cast %reduce_sum3A_1994 : vector<722xf32> to vector<1x722xf32>
      %slice3A_1996 = vector.extract_strided_slice %broadcast_in_dim3A_1995 {offsets = [0, 0], sizes = [1, 361], strides = [1, 1]} : vector<1x722xf32> to vector<1x361xf32>
      %slice3A_1997 = vector.extract_strided_slice %broadcast_in_dim3A_1995 {offsets = [0, 361], sizes = [1, 361], strides = [1, 1]} : vector<1x722xf32> to vector<1x361xf32>
      %add3A_1998 = arith.addf %slice3A_1996, %slice3A_1997 : vector<1x361xf32>
      %swap3A_1999 = arith.index_cast %add3A_1972 : i32 to index
      %swap3A_2000 = arith.constant 0 : index
      %swap3A_2001 = vector.load %arg6[%swap3A_1999, %swap3A_2000] : memref<32x361xf32, #tpu.memory_space<vmem>>, vector<1x361xf32>
      tpu.vector_store %arg6[%swap3A_1999, %swap3A_2000], %add3A_1998 {strides = array<i32>} : memref<32x361xf32, #tpu.memory_space<vmem>>, vector<1x361xf32>,
      %add3A_2002 = arith.constant 4 : i32
      %add3A_2003 = arith.addi %add3A_1972, %add3A_2002 : i32
      %lt3A_2004 = arith.constant 32 : i32
      %lt3A_2005 = arith.cmpi slt, %add3A_2003, %lt3A_2004 : i32
      %convert_element_type3A_2006 = arith.extui %lt3A_2005 : i1 to i32
      %cond3A_2007 = arith.constant 0 : i32
      %cond3A_2008 = arith.cmpi ne, %convert_element_type3A_2006, %cond3A_2007 : i32
      scf.if %cond3A_2008 {
        %dma_start3A_2009 = arith.constant 3 : i32
        %dma_start3A_2010 = arith.constant 3 : i32
        %dma_start3A_2011 = tpu.memref_slice %arg5[%dma_start3A_2010] : memref<4x!tpu.dma_semaphore, #tpu.memory_space<semaphore_mem>> -> memref<1x!tpu.dma_semaphore, #tpu.memory_space<semaphore_mem>>
        %dma_start3A_2012 = tpu.memref_squeeze %dma_start3A_2011 : memref<1x!tpu.dma_semaphore, #tpu.memory_space<semaphore_mem>> -> memref<!tpu.dma_semaphore, #tpu.memory_space<semaphore_mem>>
        %dma_start3A_2013 = arith.constant 0 : i32
        %dma_start3A_2014 = arith.constant 0 : i32
        %dma_start3A_2015 = tpu.memref_slice %arg4[%dma_start3A_2009, %dma_start3A_2013, %dma_start3A_2014] : memref<4x1024x722xf32, #tpu.memory_space<vmem>> -> memref<1x1024x722xf32, #tpu.memory_space<vmem>>
        %dma_start3A_2016 = tpu.memref_squeeze %dma_start3A_2015 : memref<1x1024x722xf32, #tpu.memory_space<vmem>> -> memref<1024x722xf32, #tpu.memory_space<vmem>>
        %dma_start3A_2017 = arith.constant 0 : i32
        %dma_start3A_2018 = arith.constant 0 : i32
        %dma_start3A_2019 = tpu.memref_slice %arg0[%add3A_2003, %dma_start3A_2017, %dma_start3A_2018] : memref<32x1024x722xf32, #tpu.memory_space<any>> -> memref<1x1024x722xf32, #tpu.memory_space<any>>
        %dma_start3A_2020 = tpu.memref_squeeze %dma_start3A_2019 : memref<1x1024x722xf32, #tpu.memory_space<any>> -> memref<1024x722xf32, #tpu.memory_space<any>>
        tpu.enqueue_dma source(%dma_start3A_2020 : memref<1024x722xf32, #tpu.memory_space<any>>) target(%dma_start3A_2016 : memref<1024x722xf32, #tpu.memory_space<vmem>>) target_semaphore(%dma_start3A_2012 : memref<!tpu.dma_semaphore, #tpu.memory_space<semaphore_mem>>)
      } else {
      }
    }
    %scan3A_54 = arith.constant 8 : i32
    %get3A = arith.constant 0 : index
    %get3A_55 = arith.constant 0 : index
    %get3A_56 = vector.load %arg6[%get3A, %get3A_55] : memref<32x361xf32, #tpu.memory_space<vmem>>, vector<32x361xf32>
    %iota3A = tpu.iota {dimensions = array<i32: 1>} : vector<32x361xi32>
    %jit3A = arith.constant 19 : i32
    %div3A = vector.broadcast %jit3A : i32 to vector<32x361xi32>
    %div3A_57 = arith.divsi %iota3A, %div3A : vector<32x361xi32>
    %sign3A = arith.constant 0 : i32
    %sign3A_58 = vector.broadcast %sign3A : i32 to vector<32x361xi32>
    %sign3A_59 = arith.cmpi sgt, %iota3A, %sign3A_58 : vector<32x361xi32>
    %sign3A_60 = arith.extui %sign3A_59 : vector<32x361xi1> to vector<32x361xi32>
    %sign3A_61 = arith.constant 0 : i32
    %sign3A_62 = vector.broadcast %sign3A_61 : i32 to vector<32x361xi32>
    %sign3A_63 = arith.cmpi slt, %iota3A, %sign3A_62 : vector<32x361xi32>
    %sign3A_64 = arith.extui %sign3A_63 : vector<32x361xi1> to vector<32x361xi32>
    %sign3A_65 = arith.subi %sign3A_60, %sign3A_64 : vector<32x361xi32>
    %sign3A_66 = arith.constant 0 : i32
    %sign3A_67 = arith.cmpi sgt, %jit3A, %sign3A_66 : i32
    %sign3A_68 = arith.extui %sign3A_67 : i1 to i32
    %sign3A_69 = arith.constant 0 : i32
    %sign3A_70 = arith.cmpi slt, %jit3A, %sign3A_69 : i32
    %sign3A_71 = arith.extui %sign3A_70 : i1 to i32
    %sign3A_72 = arith.subi %sign3A_68, %sign3A_71 : i32
    %ne3A = vector.broadcast %sign3A_72 : i32 to vector<32x361xi32>
    %ne3A_73 = arith.cmpi ne, %sign3A_65, %ne3A : vector<32x361xi32>
    %rem3A = vector.broadcast %jit3A : i32 to vector<32x361xi32>
    %rem3A_74 = arith.remsi %iota3A, %rem3A : vector<32x361xi32>
    %ne3A_75 = arith.constant 0 : i32
    %ne3A_76 = vector.broadcast %ne3A_75 : i32 to vector<32x361xi32>
    %ne3A_77 = arith.cmpi ne, %rem3A_74, %ne3A_76 : vector<32x361xi32>
    %and3A = arith.andi %ne3A_73, %ne3A_77 : vector<32x361xi1>
    %sub3A = arith.constant 1 : i32
    %sub3A_78 = vector.broadcast %sub3A : i32 to vector<32x361xi32>
    %sub3A_79 = arith.subi %div3A_57, %sub3A_78 : vector<32x361xi32>
    %select_n3A = arith.select %and3A, %sub3A_79, %div3A_57 : vector<32x361xi1>, vector<32x361xi32>
    %jit3A_80 = arith.constant 19 : i32
    %eq3A = arith.constant 0 : i32
    %eq3A_81 = arith.cmpi eq, %jit3A_80, %eq3A : i32
    %jit3A_82 = arith.constant 1 : i32
    %select_n3A_83 = arith.select %eq3A_81, %jit3A_82, %jit3A_80 : i32
    %rem3A_84 = vector.broadcast %select_n3A_83 : i32 to vector<32x361xi32>
    %rem3A_85 = arith.remsi %iota3A, %rem3A_84 : vector<32x361xi32>
    %ne3A_86 = arith.constant 0 : i32
    %ne3A_87 = vector.broadcast %ne3A_86 : i32 to vector<32x361xi32>
    %ne3A_88 = arith.cmpi ne, %rem3A_85, %ne3A_87 : vector<32x361xi32>
    %lt3A = arith.constant 0 : i32
    %lt3A_89 = vector.broadcast %lt3A : i32 to vector<32x361xi32>
    %lt3A_90 = arith.cmpi slt, %rem3A_85, %lt3A_89 : vector<32x361xi32>
    %lt3A_91 = arith.constant 0 : i32
    %lt3A_92 = arith.cmpi slt, %select_n3A_83, %lt3A_91 : i32
    %ne3A_93 = vector.broadcast %lt3A_92 : i1 to vector<32x361xi1>
    %ne3A_94 = vector.broadcast %ne3A_93 : vector<32x361xi1> to vector<32x361xi1>
    %ne3A_95 = arith.xori %lt3A_90, %ne3A_94 : vector<32x361xi1>
    %and3A_96 = arith.andi %ne3A_95, %ne3A_88 : vector<32x361xi1>
    %add3A = vector.broadcast %select_n3A_83 : i32 to vector<32x361xi32>
    %add3A_97 = arith.addi %rem3A_85, %add3A : vector<32x361xi32>
    %select_n3A_98 = arith.select %and3A_96, %add3A_97, %rem3A_85 : vector<32x361xi1>, vector<32x361xi32>
    %get3A_99 = arith.constant 0 : index
    %get3A_100 = arith.constant 0 : index
    %get3A_101 = vector.load %arg1[%get3A_99, %get3A_100] : memref<32x2xi32, #tpu.memory_space<vmem>>, vector<32x1xi32>
    %get3A_102 = arith.constant 0 : index
    %get3A_103 = arith.constant 1 : index
    %get3A_104 = vector.load %arg1[%get3A_102, %get3A_103] : memref<32x2xi32, #tpu.memory_space<vmem>>, vector<32x1xi32>
    %min3A = arith.minsi %get3A_101, %get3A_104 : vector<32x1xi32>
    %sub3A_105 = arith.subi %get3A_101, %min3A : vector<32x1xi32>
    %jit3A_106 = arith.constant 2 : i32
    %div3A_107 = vector.broadcast %jit3A_106 : i32 to vector<32x1xi32>
    %div3A_108 = arith.divsi %sub3A_105, %div3A_107 : vector<32x1xi32>
    %sign3A_109 = arith.constant 0 : i32
    %sign3A_110 = vector.broadcast %sign3A_109 : i32 to vector<32x1xi32>
    %sign3A_111 = arith.cmpi sgt, %sub3A_105, %sign3A_110 : vector<32x1xi32>
    %sign3A_112 = arith.extui %sign3A_111 : vector<32x1xi1> to vector<32x1xi32>
    %sign3A_113 = arith.constant 0 : i32
    %sign3A_114 = vector.broadcast %sign3A_113 : i32 to vector<32x1xi32>
    %sign3A_115 = arith.cmpi slt, %sub3A_105, %sign3A_114 : vector<32x1xi32>
    %sign3A_116 = arith.extui %sign3A_115 : vector<32x1xi1> to vector<32x1xi32>
    %sign3A_117 = arith.subi %sign3A_112, %sign3A_116 : vector<32x1xi32>
    %sign3A_118 = arith.constant 0 : i32
    %sign3A_119 = arith.cmpi sgt, %jit3A_106, %sign3A_118 : i32
    %sign3A_120 = arith.extui %sign3A_119 : i1 to i32
    %sign3A_121 = arith.constant 0 : i32
    %sign3A_122 = arith.cmpi slt, %jit3A_106, %sign3A_121 : i32
    %sign3A_123 = arith.extui %sign3A_122 : i1 to i32
    %sign3A_124 = arith.subi %sign3A_120, %sign3A_123 : i32
    %ne3A_125 = vector.broadcast %sign3A_124 : i32 to vector<32x1xi32>
    %ne3A_126 = arith.cmpi ne, %sign3A_117, %ne3A_125 : vector<32x1xi32>
    %rem3A_127 = vector.broadcast %jit3A_106 : i32 to vector<32x1xi32>
    %rem3A_128 = arith.remsi %sub3A_105, %rem3A_127 : vector<32x1xi32>
    %ne3A_129 = arith.constant 0 : i32
    %ne3A_130 = vector.broadcast %ne3A_129 : i32 to vector<32x1xi32>
    %ne3A_131 = arith.cmpi ne, %rem3A_128, %ne3A_130 : vector<32x1xi32>
    %and3A_132 = arith.andi %ne3A_126, %ne3A_131 : vector<32x1xi1>
    %sub3A_133 = arith.constant 1 : i32
    %sub3A_134 = vector.broadcast %sub3A_133 : i32 to vector<32x1xi32>
    %sub3A_135 = arith.subi %div3A_108, %sub3A_134 : vector<32x1xi32>
    %select_n3A_136 = arith.select %and3A_132, %sub3A_135, %div3A_108 : vector<32x1xi1>, vector<32x1xi32>
    %convert_element_type3A = arith.sitofp %select_n3A_136 : vector<32x1xi32> to vector<32x1xf32>
    %sub3A_137 = arith.subi %get3A_104, %min3A : vector<32x1xi32>
    %jit3A_138 = arith.constant 2 : i32
    %div3A_139 = vector.broadcast %jit3A_138 : i32 to vector<32x1xi32>
    %div3A_140 = arith.divsi %sub3A_137, %div3A_139 : vector<32x1xi32>
    %sign3A_141 = arith.constant 0 : i32
    %sign3A_142 = vector.broadcast %sign3A_141 : i32 to vector<32x1xi32>
    %sign3A_143 = arith.cmpi sgt, %sub3A_137, %sign3A_142 : vector<32x1xi32>
    %sign3A_144 = arith.extui %sign3A_143 : vector<32x1xi1> to vector<32x1xi32>
    %sign3A_145 = arith.constant 0 : i32
    %sign3A_146 = vector.broadcast %sign3A_145 : i32 to vector<32x1xi32>
    %sign3A_147 = arith.cmpi slt, %sub3A_137, %sign3A_146 : vector<32x1xi32>
    %sign3A_148 = arith.extui %sign3A_147 : vector<32x1xi1> to vector<32x1xi32>
    %sign3A_149 = arith.subi %sign3A_144, %sign3A_148 : vector<32x1xi32>
    %sign3A_150 = arith.constant 0 : i32
    %sign3A_151 = arith.cmpi sgt, %jit3A_138, %sign3A_150 : i32
    %sign3A_152 = arith.extui %sign3A_151 : i1 to i32
    %sign3A_153 = arith.constant 0 : i32
    %sign3A_154 = arith.cmpi slt, %jit3A_138, %sign3A_153 : i32
    %sign3A_155 = arith.extui %sign3A_154 : i1 to i32
    %sign3A_156 = arith.subi %sign3A_152, %sign3A_155 : i32
    %ne3A_157 = vector.broadcast %sign3A_156 : i32 to vector<32x1xi32>
    %ne3A_158 = arith.cmpi ne, %sign3A_149, %ne3A_157 : vector<32x1xi32>
    %rem3A_159 = vector.broadcast %jit3A_138 : i32 to vector<32x1xi32>
    %rem3A_160 = arith.remsi %sub3A_137, %rem3A_159 : vector<32x1xi32>
    %ne3A_161 = arith.constant 0 : i32
    %ne3A_162 = vector.broadcast %ne3A_161 : i32 to vector<32x1xi32>
    %ne3A_163 = arith.cmpi ne, %rem3A_160, %ne3A_162 : vector<32x1xi32>
    %and3A_164 = arith.andi %ne3A_158, %ne3A_163 : vector<32x1xi1>
    %sub3A_165 = arith.constant 1 : i32
    %sub3A_166 = vector.broadcast %sub3A_165 : i32 to vector<32x1xi32>
    %sub3A_167 = arith.subi %div3A_140, %sub3A_166 : vector<32x1xi32>
    %select_n3A_168 = arith.select %and3A_164, %sub3A_167, %div3A_140 : vector<32x1xi1>, vector<32x1xi32>
    %convert_element_type3A_169 = arith.sitofp %select_n3A_168 : vector<32x1xi32> to vector<32x1xf32>
    %convert_element_type3A_170 = arith.sitofp %min3A : vector<32x1xi32> to vector<32x1xf32>
    %broadcast_in_dim3A = arith.constant 0.000000e+00 : f32
    %broadcast_in_dim3A_171 = vector.broadcast %broadcast_in_dim3A : f32 to vector<32x361xf32>
    %add3A_172 = arith.addf %broadcast_in_dim3A_171, %get3A_56 : vector<32x361xf32>
    %broadcast_in_dim3A_173 = arith.constant 0.000000e+00 : f32
    %broadcast_in_dim3A_174 = vector.broadcast %broadcast_in_dim3A_173 : f32 to vector<32x1xf32>
    %slice3A = vector.extract_strided_slice %get3A_56 {offsets = [0, 1], sizes = [32, 360], strides = [1, 1]} : vector<32x361xf32> to vector<32x360xf32>
    %concatenate3A = tpu.concatenate %slice3A, %broadcast_in_dim3A_174 in 1 : vector<32x360xf32>, vector<32x1xf32> -> vector<32x361xf32>
    %add3A_175 = arith.addf %add3A_172, %concatenate3A : vector<32x361xf32>
    %broadcast_in_dim3A_176 = arith.constant 0.000000e+00 : f32
    %broadcast_in_dim3A_177 = vector.broadcast %broadcast_in_dim3A_176 : f32 to vector<32x2xf32>
    %slice3A_178 = vector.extract_strided_slice %get3A_56 {offsets = [0, 2], sizes = [32, 359], strides = [1, 1]} : vector<32x361xf32> to vector<32x359xf32>
    %concatenate3A_179 = tpu.concatenate %slice3A_178, %broadcast_in_dim3A_177 in 1 : vector<32x359xf32>, vector<32x2xf32> -> vector<32x361xf32>
    %add3A_180 = arith.addf %add3A_175, %concatenate3A_179 : vector<32x361xf32>
    %broadcast_in_dim3A_181 = arith.constant 0.000000e+00 : f32
    %broadcast_in_dim3A_182 = vector.broadcast %broadcast_in_dim3A_181 : f32 to vector<32x19xf32>
    %slice3A_183 = vector.extract_strided_slice %get3A_56 {offsets = [0, 19], sizes = [32, 342], strides = [1, 1]} : vector<32x361xf32> to vector<32x342xf32>
    %concatenate3A_184 = tpu.concatenate %slice3A_183, %broadcast_in_dim3A_182 in 1 : vector<32x342xf32>, vector<32x19xf32> -> vector<32x361xf32>
    %add3A_185 = arith.addf %add3A_180, %concatenate3A_184 : vector<32x361xf32>
    %broadcast_in_dim3A_186 = arith.constant 0.000000e+00 : f32
    %broadcast_in_dim3A_187 = vector.broadcast %broadcast_in_dim3A_186 : f32 to vector<32x20xf32>
    %slice3A_188 = vector.extract_strided_slice %get3A_56 {offsets = [0, 20], sizes = [32, 341], strides = [1, 1]} : vector<32x361xf32> to vector<32x341xf32>
    %concatenate3A_189 = tpu.concatenate %slice3A_188, %broadcast_in_dim3A_187 in 1 : vector<32x341xf32>, vector<32x20xf32> -> vector<32x361xf32>
    %add3A_190 = arith.addf %add3A_185, %concatenate3A_189 : vector<32x361xf32>
    %broadcast_in_dim3A_191 = arith.constant 0.000000e+00 : f32
    %broadcast_in_dim3A_192 = vector.broadcast %broadcast_in_dim3A_191 : f32 to vector<32x21xf32>
    %slice3A_193 = vector.extract_strided_slice %get3A_56 {offsets = [0, 21], sizes = [32, 340], strides = [1, 1]} : vector<32x361xf32> to vector<32x340xf32>
    %concatenate3A_194 = tpu.concatenate %slice3A_193, %broadcast_in_dim3A_192 in 1 : vector<32x340xf32>, vector<32x21xf32> -> vector<32x361xf32>
    %add3A_195 = arith.addf %add3A_190, %concatenate3A_194 : vector<32x361xf32>
    %broadcast_in_dim3A_196 = arith.constant 0.000000e+00 : f32
    %broadcast_in_dim3A_197 = vector.broadcast %broadcast_in_dim3A_196 : f32 to vector<32x38xf32>
    %slice3A_198 = vector.extract_strided_slice %get3A_56 {offsets = [0, 38], sizes = [32, 323], strides = [1, 1]} : vector<32x361xf32> to vector<32x323xf32>
    %concatenate3A_199 = tpu.concatenate %slice3A_198, %broadcast_in_dim3A_197 in 1 : vector<32x323xf32>, vector<32x38xf32> -> vector<32x361xf32>
    %add3A_200 = arith.addf %add3A_195, %concatenate3A_199 : vector<32x361xf32>
    %broadcast_in_dim3A_201 = arith.constant 0.000000e+00 : f32
    %broadcast_in_dim3A_202 = vector.broadcast %broadcast_in_dim3A_201 : f32 to vector<32x39xf32>
    %slice3A_203 = vector.extract_strided_slice %get3A_56 {offsets = [0, 39], sizes = [32, 322], strides = [1, 1]} : vector<32x361xf32> to vector<32x322xf32>
    %concatenate3A_204 = tpu.concatenate %slice3A_203, %broadcast_in_dim3A_202 in 1 : vector<32x322xf32>, vector<32x39xf32> -> vector<32x361xf32>
    %add3A_205 = arith.addf %add3A_200, %concatenate3A_204 : vector<32x361xf32>
    %broadcast_in_dim3A_206 = arith.constant 0.000000e+00 : f32
    %broadcast_in_dim3A_207 = vector.broadcast %broadcast_in_dim3A_206 : f32 to vector<32x40xf32>
    %slice3A_208 = vector.extract_strided_slice %get3A_56 {offsets = [0, 40], sizes = [32, 321], strides = [1, 1]} : vector<32x361xf32> to vector<32x321xf32>
    %concatenate3A_209 = tpu.concatenate %slice3A_208, %broadcast_in_dim3A_207 in 1 : vector<32x321xf32>, vector<32x40xf32> -> vector<32x361xf32>
    %add3A_210 = arith.addf %add3A_205, %concatenate3A_209 : vector<32x361xf32>
    %div3A_211 = arith.constant 9.000000e+00 : f32
    %div3A_212 = vector.broadcast %div3A_211 : f32 to vector<32x361xf32>
    %div3A_213 = arith.divf %add3A_210, %div3A_212 : vector<32x361xf32>
    %lt3A_214 = arith.constant 17 : i32
    %lt3A_215 = vector.broadcast %lt3A_214 : i32 to vector<32x361xi32>
    %lt3A_216 = arith.cmpi slt, %select_n3A, %lt3A_215 : vector<32x361xi32>
    %lt3A_217 = arith.constant 17 : i32
    %lt3A_218 = vector.broadcast %lt3A_217 : i32 to vector<32x361xi32>
    %lt3A_219 = arith.cmpi slt, %select_n3A_98, %lt3A_218 : vector<32x361xi32>
    %and3A_220 = arith.andi %lt3A_216, %lt3A_219 : vector<32x361xi1>
    %jit3A_221 = arith.constant 0xFF800000 : f32
    %broadcast_in_dim3A_222 = vector.broadcast %jit3A_221 : f32 to vector<32x361xf32>
    %select_n3A_223 = arith.select %and3A_220, %div3A_213, %broadcast_in_dim3A_222 : vector<32x361xi1>, vector<32x361xf32>
    %reduce_max3A = arith.constant dense<0xFF800000> : vector<32xf32>
    %reduce_max3A_224 = vector.multi_reduction <maximumf>, %select_n3A_223, %reduce_max3A [1] : vector<32x361xf32> to vector<32xf32>
    %broadcast_in_dim3A_225 = vector.shape_cast %reduce_max3A_224 : vector<32xf32> to vector<32x1xf32>
    %eq3A_226 = vector.broadcast %broadcast_in_dim3A_225 : vector<32x1xf32> to vector<32x361xf32>
    %eq3A_227 = arith.cmpf oeq, %select_n3A_223, %eq3A_226 : vector<32x361xf32>
    %jit3A_228 = arith.constant 361 : i32
    %broadcast_in_dim3A_229 = vector.broadcast %jit3A_228 : i32 to vector<32x361xi32>
    %select_n3A_230 = arith.select %eq3A_227, %iota3A, %broadcast_in_dim3A_229 : vector<32x361xi1>, vector<32x361xi32>
    %reduce_min3A = arith.constant dense<2147483647> : vector<32xi32>
    %reduce_min3A_231 = vector.multi_reduction <minsi>, %select_n3A_230, %reduce_min3A [1] : vector<32x361xi32> to vector<32xi32>
    %broadcast_in_dim3A_232 = vector.shape_cast %reduce_min3A_231 : vector<32xi32> to vector<32x1xi32>
    %broadcast_in_dim3A_233 = arith.constant 0xFF800000 : f32
    %broadcast_in_dim3A_234 = vector.broadcast %broadcast_in_dim3A_233 : f32 to vector<32x361xf32>
    %broadcast_in_dim3A_235 = arith.constant 0xFF800000 : f32
    %broadcast_in_dim3A_236 = vector.broadcast %broadcast_in_dim3A_235 : f32 to vector<32x20xf32>
    %slice3A_237 = vector.extract_strided_slice %select_n3A_223 {offsets = [0, 0], sizes = [32, 341], strides = [1, 1]} : vector<32x361xf32> to vector<32x341xf32>
    %concatenate3A_238 = tpu.concatenate %broadcast_in_dim3A_236, %slice3A_237 in 1 : vector<32x20xf32>, vector<32x341xf32> -> vector<32x361xf32>
    %add3A_239 = arith.constant -1 : i32
    %add3A_240 = vector.broadcast %add3A_239 : i32 to vector<32x361xi32>
    %add3A_241 = arith.addi %select_n3A_98, %add3A_240 : vector<32x361xi32>
    %ge3A = arith.constant 0 : i32
    %ge3A_242 = vector.broadcast %ge3A : i32 to vector<32x361xi32>
    %ge3A_243 = arith.cmpi sge, %add3A_241, %ge3A_242 : vector<32x361xi32>
    %add3A_244 = arith.constant -1 : i32
    %add3A_245 = vector.broadcast %add3A_244 : i32 to vector<32x361xi32>
    %add3A_246 = arith.addi %select_n3A_98, %add3A_245 : vector<32x361xi32>
    %lt3A_247 = arith.constant 19 : i32
    %lt3A_248 = vector.broadcast %lt3A_247 : i32 to vector<32x361xi32>
    %lt3A_249 = arith.cmpi slt, %add3A_246, %lt3A_248 : vector<32x361xi32>
    %and3A_250 = arith.andi %ge3A_243, %lt3A_249 : vector<32x361xi1>
    %jit3A_251 = arith.constant 0xFF800000 : f32
    %broadcast_in_dim3A_252 = vector.broadcast %jit3A_251 : f32 to vector<32x361xf32>
    %select_n3A_253 = arith.select %and3A_250, %concatenate3A_238, %broadcast_in_dim3A_252 : vector<32x361xi1>, vector<32x361xf32>
    %max3A = arith.maximumf %broadcast_in_dim3A_234, %select_n3A_253 : vector<32x361xf32>
    %broadcast_in_dim3A_254 = arith.constant 0xFF800000 : f32
    %broadcast_in_dim3A_255 = vector.broadcast %broadcast_in_dim3A_254 : f32 to vector<32x19xf32>
    %slice3A_256 = vector.extract_strided_slice %select_n3A_223 {offsets = [0, 0], sizes = [32, 342], strides = [1, 1]} : vector<32x361xf32> to vector<32x342xf32>
    %concatenate3A_257 = tpu.concatenate %broadcast_in_dim3A_255, %slice3A_256 in 1 : vector<32x19xf32>, vector<32x342xf32> -> vector<32x361xf32>
    %add3A_258 = arith.constant 0 : i32
    %add3A_259 = vector.broadcast %add3A_258 : i32 to vector<32x361xi32>
    %add3A_260 = arith.addi %select_n3A_98, %add3A_259 : vector<32x361xi32>
    %ge3A_261 = arith.constant 0 : i32
    %ge3A_262 = vector.broadcast %ge3A_261 : i32 to vector<32x361xi32>
    %ge3A_263 = arith.cmpi sge, %add3A_260, %ge3A_262 : vector<32x361xi32>
    %add3A_264 = arith.constant 0 : i32
    %add3A_265 = vector.broadcast %add3A_264 : i32 to vector<32x361xi32>
    %add3A_266 = arith.addi %select_n3A_98, %add3A_265 : vector<32x361xi32>
    %lt3A_267 = arith.constant 19 : i32
    %lt3A_268 = vector.broadcast %lt3A_267 : i32 to vector<32x361xi32>
    %lt3A_269 = arith.cmpi slt, %add3A_266, %lt3A_268 : vector<32x361xi32>
    %and3A_270 = arith.andi %ge3A_263, %lt3A_269 : vector<32x361xi1>
    %jit3A_271 = arith.constant 0xFF800000 : f32
    %broadcast_in_dim3A_272 = vector.broadcast %jit3A_271 : f32 to vector<32x361xf32>
    %select_n3A_273 = arith.select %and3A_270, %concatenate3A_257, %broadcast_in_dim3A_272 : vector<32x361xi1>, vector<32x361xf32>
    %max3A_274 = arith.maximumf %max3A, %select_n3A_273 : vector<32x361xf32>
    %broadcast_in_dim3A_275 = arith.constant 0xFF800000 : f32
    %broadcast_in_dim3A_276 = vector.broadcast %broadcast_in_dim3A_275 : f32 to vector<32x18xf32>
    %slice3A_277 = vector.extract_strided_slice %select_n3A_223 {offsets = [0, 0], sizes = [32, 343], strides = [1, 1]} : vector<32x361xf32> to vector<32x343xf32>
    %concatenate3A_278 = tpu.concatenate %broadcast_in_dim3A_276, %slice3A_277 in 1 : vector<32x18xf32>, vector<32x343xf32> -> vector<32x361xf32>
    %add3A_279 = arith.constant 1 : i32
    %add3A_280 = vector.broadcast %add3A_279 : i32 to vector<32x361xi32>
    %add3A_281 = arith.addi %select_n3A_98, %add3A_280 : vector<32x361xi32>
    %ge3A_282 = arith.constant 0 : i32
    %ge3A_283 = vector.broadcast %ge3A_282 : i32 to vector<32x361xi32>
    %ge3A_284 = arith.cmpi sge, %add3A_281, %ge3A_283 : vector<32x361xi32>
    %add3A_285 = arith.constant 1 : i32
    %add3A_286 = vector.broadcast %add3A_285 : i32 to vector<32x361xi32>
    %add3A_287 = arith.addi %select_n3A_98, %add3A_286 : vector<32x361xi32>
    %lt3A_288 = arith.constant 19 : i32
    %lt3A_289 = vector.broadcast %lt3A_288 : i32 to vector<32x361xi32>
    %lt3A_290 = arith.cmpi slt, %add3A_287, %lt3A_289 : vector<32x361xi32>
    %and3A_291 = arith.andi %ge3A_284, %lt3A_290 : vector<32x361xi1>
    %jit3A_292 = arith.constant 0xFF800000 : f32
    %broadcast_in_dim3A_293 = vector.broadcast %jit3A_292 : f32 to vector<32x361xf32>
    %select_n3A_294 = arith.select %and3A_291, %concatenate3A_278, %broadcast_in_dim3A_293 : vector<32x361xi1>, vector<32x361xf32>
    %max3A_295 = arith.maximumf %max3A_274, %select_n3A_294 : vector<32x361xf32>
    %broadcast_in_dim3A_296 = arith.constant 0xFF800000 : f32
    %broadcast_in_dim3A_297 = vector.broadcast %broadcast_in_dim3A_296 : f32 to vector<32x1xf32>
    %slice3A_298 = vector.extract_strided_slice %select_n3A_223 {offsets = [0, 0], sizes = [32, 360], strides = [1, 1]} : vector<32x361xf32> to vector<32x360xf32>
    %concatenate3A_299 = tpu.concatenate %broadcast_in_dim3A_297, %slice3A_298 in 1 : vector<32x1xf32>, vector<32x360xf32> -> vector<32x361xf32>
    %add3A_300 = arith.constant -1 : i32
    %add3A_301 = vector.broadcast %add3A_300 : i32 to vector<32x361xi32>
    %add3A_302 = arith.addi %select_n3A_98, %add3A_301 : vector<32x361xi32>
    %ge3A_303 = arith.constant 0 : i32
    %ge3A_304 = vector.broadcast %ge3A_303 : i32 to vector<32x361xi32>
    %ge3A_305 = arith.cmpi sge, %add3A_302, %ge3A_304 : vector<32x361xi32>
    %add3A_306 = arith.constant -1 : i32
    %add3A_307 = vector.broadcast %add3A_306 : i32 to vector<32x361xi32>
    %add3A_308 = arith.addi %select_n3A_98, %add3A_307 : vector<32x361xi32>
    %lt3A_309 = arith.constant 19 : i32
    %lt3A_310 = vector.broadcast %lt3A_309 : i32 to vector<32x361xi32>
    %lt3A_311 = arith.cmpi slt, %add3A_308, %lt3A_310 : vector<32x361xi32>
    %and3A_312 = arith.andi %ge3A_305, %lt3A_311 : vector<32x361xi1>
    %jit3A_313 = arith.constant 0xFF800000 : f32
    %broadcast_in_dim3A_314 = vector.broadcast %jit3A_313 : f32 to vector<32x361xf32>
    %select_n3A_315 = arith.select %and3A_312, %concatenate3A_299, %broadcast_in_dim3A_314 : vector<32x361xi1>, vector<32x361xf32>
    %max3A_316 = arith.maximumf %max3A_295, %select_n3A_315 : vector<32x361xf32>
    %add3A_317 = arith.constant 0 : i32
    %add3A_318 = vector.broadcast %add3A_317 : i32 to vector<32x361xi32>
    %add3A_319 = arith.addi %select_n3A_98, %add3A_318 : vector<32x361xi32>
    %ge3A_320 = arith.constant 0 : i32
    %ge3A_321 = vector.broadcast %ge3A_320 : i32 to vector<32x361xi32>
    %ge3A_322 = arith.cmpi sge, %add3A_319, %ge3A_321 : vector<32x361xi32>
    %add3A_323 = arith.constant 0 : i32
    %add3A_324 = vector.broadcast %add3A_323 : i32 to vector<32x361xi32>
    %add3A_325 = arith.addi %select_n3A_98, %add3A_324 : vector<32x361xi32>
    %lt3A_326 = arith.constant 19 : i32
    %lt3A_327 = vector.broadcast %lt3A_326 : i32 to vector<32x361xi32>
    %lt3A_328 = arith.cmpi slt, %add3A_325, %lt3A_327 : vector<32x361xi32>
    %and3A_329 = arith.andi %ge3A_322, %lt3A_328 : vector<32x361xi1>
    %jit3A_330 = arith.constant 0xFF800000 : f32
    %broadcast_in_dim3A_331 = vector.broadcast %jit3A_330 : f32 to vector<32x361xf32>
    %select_n3A_332 = arith.select %and3A_329, %select_n3A_223, %broadcast_in_dim3A_331 : vector<32x361xi1>, vector<32x361xf32>
    %max3A_333 = arith.maximumf %max3A_316, %select_n3A_332 : vector<32x361xf32>
    %broadcast_in_dim3A_334 = arith.constant 0xFF800000 : f32
    %broadcast_in_dim3A_335 = vector.broadcast %broadcast_in_dim3A_334 : f32 to vector<32x1xf32>
    %slice3A_336 = vector.extract_strided_slice %select_n3A_223 {offsets = [0, 1], sizes = [32, 360], strides = [1, 1]} : vector<32x361xf32> to vector<32x360xf32>
    %concatenate3A_337 = tpu.concatenate %slice3A_336, %broadcast_in_dim3A_335 in 1 : vector<32x360xf32>, vector<32x1xf32> -> vector<32x361xf32>
    %add3A_338 = arith.constant 1 : i32
    %add3A_339 = vector.broadcast %add3A_338 : i32 to vector<32x361xi32>
    %add3A_340 = arith.addi %select_n3A_98, %add3A_339 : vector<32x361xi32>
    %ge3A_341 = arith.constant 0 : i32
    %ge3A_342 = vector.broadcast %ge3A_341 : i32 to vector<32x361xi32>
    %ge3A_343 = arith.cmpi sge, %add3A_340, %ge3A_342 : vector<32x361xi32>
    %add3A_344 = arith.constant 1 : i32
    %add3A_345 = vector.broadcast %add3A_344 : i32 to vector<32x361xi32>
    %add3A_346 = arith.addi %select_n3A_98, %add3A_345 : vector<32x361xi32>
    %lt3A_347 = arith.constant 19 : i32
    %lt3A_348 = vector.broadcast %lt3A_347 : i32 to vector<32x361xi32>
    %lt3A_349 = arith.cmpi slt, %add3A_346, %lt3A_348 : vector<32x361xi32>
    %and3A_350 = arith.andi %ge3A_343, %lt3A_349 : vector<32x361xi1>
    %jit3A_351 = arith.constant 0xFF800000 : f32
    %broadcast_in_dim3A_352 = vector.broadcast %jit3A_351 : f32 to vector<32x361xf32>
    %select_n3A_353 = arith.select %and3A_350, %concatenate3A_337, %broadcast_in_dim3A_352 : vector<32x361xi1>, vector<32x361xf32>
    %max3A_354 = arith.maximumf %max3A_333, %select_n3A_353 : vector<32x361xf32>
    %broadcast_in_dim3A_355 = arith.constant 0xFF800000 : f32
    %broadcast_in_dim3A_356 = vector.broadcast %broadcast_in_dim3A_355 : f32 to vector<32x18xf32>
    %slice3A_357 = vector.extract_strided_slice %select_n3A_223 {offsets = [0, 18], sizes = [32, 343], strides = [1, 1]} : vector<32x361xf32> to vector<32x343xf32>
    %concatenate3A_358 = tpu.concatenate %slice3A_357, %broadcast_in_dim3A_356 in 1 : vector<32x343xf32>, vector<32x18xf32> -> vector<32x361xf32>
    %add3A_359 = arith.constant -1 : i32
    %add3A_360 = vector.broadcast %add3A_359 : i32 to vector<32x361xi32>
    %add3A_361 = arith.addi %select_n3A_98, %add3A_360 : vector<32x361xi32>
    %ge3A_362 = arith.constant 0 : i32
    %ge3A_363 = vector.broadcast %ge3A_362 : i32 to vector<32x361xi32>
    %ge3A_364 = arith.cmpi sge, %add3A_361, %ge3A_363 : vector<32x361xi32>
    %add3A_365 = arith.constant -1 : i32
    %add3A_366 = vector.broadcast %add3A_365 : i32 to vector<32x361xi32>
    %add3A_367 = arith.addi %select_n3A_98, %add3A_366 : vector<32x361xi32>
    %lt3A_368 = arith.constant 19 : i32
    %lt3A_369 = vector.broadcast %lt3A_368 : i32 to vector<32x361xi32>
    %lt3A_370 = arith.cmpi slt, %add3A_367, %lt3A_369 : vector<32x361xi32>
    %and3A_371 = arith.andi %ge3A_364, %lt3A_370 : vector<32x361xi1>
    %jit3A_372 = arith.constant 0xFF800000 : f32
    %broadcast_in_dim3A_373 = vector.broadcast %jit3A_372 : f32 to vector<32x361xf32>
    %select_n3A_374 = arith.select %and3A_371, %concatenate3A_358, %broadcast_in_dim3A_373 : vector<32x361xi1>, vector<32x361xf32>
    %max3A_375 = arith.maximumf %max3A_354, %select_n3A_374 : vector<32x361xf32>
    %broadcast_in_dim3A_376 = arith.constant 0xFF800000 : f32
    %broadcast_in_dim3A_377 = vector.broadcast %broadcast_in_dim3A_376 : f32 to vector<32x19xf32>
    %slice3A_378 = vector.extract_strided_slice %select_n3A_223 {offsets = [0, 19], sizes = [32, 342], strides = [1, 1]} : vector<32x361xf32> to vector<32x342xf32>
    %concatenate3A_379 = tpu.concatenate %slice3A_378, %broadcast_in_dim3A_377 in 1 : vector<32x342xf32>, vector<32x19xf32> -> vector<32x361xf32>
    %add3A_380 = arith.constant 0 : i32
    %add3A_381 = vector.broadcast %add3A_380 : i32 to vector<32x361xi32>
    %add3A_382 = arith.addi %select_n3A_98, %add3A_381 : vector<32x361xi32>
    %ge3A_383 = arith.constant 0 : i32
    %ge3A_384 = vector.broadcast %ge3A_383 : i32 to vector<32x361xi32>
    %ge3A_385 = arith.cmpi sge, %add3A_382, %ge3A_384 : vector<32x361xi32>
    %add3A_386 = arith.constant 0 : i32
    %add3A_387 = vector.broadcast %add3A_386 : i32 to vector<32x361xi32>
    %add3A_388 = arith.addi %select_n3A_98, %add3A_387 : vector<32x361xi32>
    %lt3A_389 = arith.constant 19 : i32
    %lt3A_390 = vector.broadcast %lt3A_389 : i32 to vector<32x361xi32>
    %lt3A_391 = arith.cmpi slt, %add3A_388, %lt3A_390 : vector<32x361xi32>
    %and3A_392 = arith.andi %ge3A_385, %lt3A_391 : vector<32x361xi1>
    %jit3A_393 = arith.constant 0xFF800000 : f32
    %broadcast_in_dim3A_394 = vector.broadcast %jit3A_393 : f32 to vector<32x361xf32>
    %select_n3A_395 = arith.select %and3A_392, %concatenate3A_379, %broadcast_in_dim3A_394 : vector<32x361xi1>, vector<32x361xf32>
    %max3A_396 = arith.maximumf %max3A_375, %select_n3A_395 : vector<32x361xf32>
    %broadcast_in_dim3A_397 = arith.constant 0xFF800000 : f32
    %broadcast_in_dim3A_398 = vector.broadcast %broadcast_in_dim3A_397 : f32 to vector<32x20xf32>
    %slice3A_399 = vector.extract_strided_slice %select_n3A_223 {offsets = [0, 20], sizes = [32, 341], strides = [1, 1]} : vector<32x361xf32> to vector<32x341xf32>
    %concatenate3A_400 = tpu.concatenate %slice3A_399, %broadcast_in_dim3A_398 in 1 : vector<32x341xf32>, vector<32x20xf32> -> vector<32x361xf32>
    %add3A_401 = arith.constant 1 : i32
    %add3A_402 = vector.broadcast %add3A_401 : i32 to vector<32x361xi32>
    %add3A_403 = arith.addi %select_n3A_98, %add3A_402 : vector<32x361xi32>
    %ge3A_404 = arith.constant 0 : i32
    %ge3A_405 = vector.broadcast %ge3A_404 : i32 to vector<32x361xi32>
    %ge3A_406 = arith.cmpi sge, %add3A_403, %ge3A_405 : vector<32x361xi32>
    %add3A_407 = arith.constant 1 : i32
    %add3A_408 = vector.broadcast %add3A_407 : i32 to vector<32x361xi32>
    %add3A_409 = arith.addi %select_n3A_98, %add3A_408 : vector<32x361xi32>
    %lt3A_410 = arith.constant 19 : i32
    %lt3A_411 = vector.broadcast %lt3A_410 : i32 to vector<32x361xi32>
    %lt3A_412 = arith.cmpi slt, %add3A_409, %lt3A_411 : vector<32x361xi32>
    %and3A_413 = arith.andi %ge3A_406, %lt3A_412 : vector<32x361xi1>
    %jit3A_414 = arith.constant 0xFF800000 : f32
    %broadcast_in_dim3A_415 = vector.broadcast %jit3A_414 : f32 to vector<32x361xf32>
    %select_n3A_416 = arith.select %and3A_413, %concatenate3A_400, %broadcast_in_dim3A_415 : vector<32x361xi1>, vector<32x361xf32>
    %max3A_417 = arith.maximumf %max3A_396, %select_n3A_416 : vector<32x361xf32>
    %eq3A_418 = vector.broadcast %broadcast_in_dim3A_225 : vector<32x1xf32> to vector<32x361xf32>
    %eq3A_419 = arith.cmpf oeq, %max3A_417, %eq3A_418 : vector<32x361xf32>
    %and3A_420 = arith.andi %eq3A_419, %and3A_220 : vector<32x361xi1>
    %jit3A_421 = arith.constant 0.000000e+00 : f32
    %broadcast_in_dim3A_422 = vector.broadcast %jit3A_421 : f32 to vector<32x361xf32>
    %select_n3A_423 = arith.select %and3A_420, %broadcast_in_dim3A_422, %select_n3A_223 : vector<32x361xi1>, vector<32x361xf32>
    %jit3A_424 = arith.constant 19 : i32
    %div3A_425 = vector.broadcast %jit3A_424 : i32 to vector<32x1xi32>
    %div3A_426 = arith.divsi %broadcast_in_dim3A_232, %div3A_425 : vector<32x1xi32>
    %sign3A_427 = arith.constant 0 : i32
    %sign3A_428 = vector.broadcast %sign3A_427 : i32 to vector<32x1xi32>
    %sign3A_429 = arith.cmpi sgt, %broadcast_in_dim3A_232, %sign3A_428 : vector<32x1xi32>
    %sign3A_430 = arith.extui %sign3A_429 : vector<32x1xi1> to vector<32x1xi32>
    %sign3A_431 = arith.constant 0 : i32
    %sign3A_432 = vector.broadcast %sign3A_431 : i32 to vector<32x1xi32>
    %sign3A_433 = arith.cmpi slt, %broadcast_in_dim3A_232, %sign3A_432 : vector<32x1xi32>
    %sign3A_434 = arith.extui %sign3A_433 : vector<32x1xi1> to vector<32x1xi32>
    %sign3A_435 = arith.subi %sign3A_430, %sign3A_434 : vector<32x1xi32>
    %sign3A_436 = arith.constant 0 : i32
    %sign3A_437 = arith.cmpi sgt, %jit3A_424, %sign3A_436 : i32
    %sign3A_438 = arith.extui %sign3A_437 : i1 to i32
    %sign3A_439 = arith.constant 0 : i32
    %sign3A_440 = arith.cmpi slt, %jit3A_424, %sign3A_439 : i32
    %sign3A_441 = arith.extui %sign3A_440 : i1 to i32
    %sign3A_442 = arith.subi %sign3A_438, %sign3A_441 : i32
    %ne3A_443 = vector.broadcast %sign3A_442 : i32 to vector<32x1xi32>
    %ne3A_444 = arith.cmpi ne, %sign3A_435, %ne3A_443 : vector<32x1xi32>
    %rem3A_445 = vector.broadcast %jit3A_424 : i32 to vector<32x1xi32>
    %rem3A_446 = arith.remsi %broadcast_in_dim3A_232, %rem3A_445 : vector<32x1xi32>
    %ne3A_447 = arith.constant 0 : i32
    %ne3A_448 = vector.broadcast %ne3A_447 : i32 to vector<32x1xi32>
    %ne3A_449 = arith.cmpi ne, %rem3A_446, %ne3A_448 : vector<32x1xi32>
    %and3A_450 = arith.andi %ne3A_444, %ne3A_449 : vector<32x1xi1>
    %sub3A_451 = arith.constant 1 : i32
    %sub3A_452 = vector.broadcast %sub3A_451 : i32 to vector<32x1xi32>
    %sub3A_453 = arith.subi %div3A_426, %sub3A_452 : vector<32x1xi32>
    %select_n3A_454 = arith.select %and3A_450, %sub3A_453, %div3A_426 : vector<32x1xi1>, vector<32x1xi32>
    %jit3A_455 = arith.constant 19 : i32
    %eq3A_456 = arith.constant 0 : i32
    %eq3A_457 = arith.cmpi eq, %jit3A_455, %eq3A_456 : i32
    %jit3A_458 = arith.constant 1 : i32
    %select_n3A_459 = arith.select %eq3A_457, %jit3A_458, %jit3A_455 : i32
    %rem3A_460 = vector.broadcast %select_n3A_459 : i32 to vector<32x1xi32>
    %rem3A_461 = arith.remsi %broadcast_in_dim3A_232, %rem3A_460 : vector<32x1xi32>
    %ne3A_462 = arith.constant 0 : i32
    %ne3A_463 = vector.broadcast %ne3A_462 : i32 to vector<32x1xi32>
    %ne3A_464 = arith.cmpi ne, %rem3A_461, %ne3A_463 : vector<32x1xi32>
    %lt3A_465 = arith.constant 0 : i32
    %lt3A_466 = vector.broadcast %lt3A_465 : i32 to vector<32x1xi32>
    %lt3A_467 = arith.cmpi slt, %rem3A_461, %lt3A_466 : vector<32x1xi32>
    %lt3A_468 = arith.constant 0 : i32
    %lt3A_469 = arith.cmpi slt, %select_n3A_459, %lt3A_468 : i32
    %ne3A_470 = vector.broadcast %lt3A_469 : i1 to vector<32x1xi1>
    %ne3A_471 = vector.broadcast %ne3A_470 : vector<32x1xi1> to vector<32x1xi1>
    %ne3A_472 = arith.xori %lt3A_467, %ne3A_471 : vector<32x1xi1>
    %and3A_473 = arith.andi %ne3A_472, %ne3A_464 : vector<32x1xi1>
    %add3A_474 = vector.broadcast %select_n3A_459 : i32 to vector<32x1xi32>
    %add3A_475 = arith.addi %rem3A_461, %add3A_474 : vector<32x1xi32>
    %select_n3A_476 = arith.select %and3A_473, %add3A_475, %rem3A_461 : vector<32x1xi1>, vector<32x1xi32>
    %convert_element_type3A_477 = arith.sitofp %select_n3A_454 : vector<32x1xi32> to vector<32x1xf32>
    %mul3A = arith.constant 2.000000e+00 : f32
    %mul3A_478 = vector.broadcast %mul3A : f32 to vector<32x1xf32>
    %mul3A_479 = arith.mulf %mul3A_478, %convert_element_type3A_477 : vector<32x1xf32>
    %add3A_480 = arith.constant 3.000000e+00 : f32
    %add3A_481 = vector.broadcast %add3A_480 : f32 to vector<32x1xf32>
    %add3A_482 = arith.addf %mul3A_479, %add3A_481 : vector<32x1xf32>
    %div3A_483 = arith.constant 3.800000e+01 : f32
    %div3A_484 = vector.broadcast %div3A_483 : f32 to vector<32x1xf32>
    %div3A_485 = arith.divf %add3A_482, %div3A_484 : vector<32x1xf32>
    %convert_element_type3A_486 = arith.sitofp %select_n3A_476 : vector<32x1xi32> to vector<32x1xf32>
    %mul3A_487 = arith.constant 2.000000e+00 : f32
    %mul3A_488 = vector.broadcast %mul3A_487 : f32 to vector<32x1xf32>
    %mul3A_489 = arith.mulf %mul3A_488, %convert_element_type3A_486 : vector<32x1xf32>
    %add3A_490 = arith.constant 3.000000e+00 : f32
    %add3A_491 = vector.broadcast %add3A_490 : f32 to vector<32x1xf32>
    %add3A_492 = arith.addf %mul3A_489, %add3A_491 : vector<32x1xf32>
    %div3A_493 = arith.constant 3.800000e+01 : f32
    %div3A_494 = vector.broadcast %div3A_493 : f32 to vector<32x1xf32>
    %div3A_495 = arith.divf %add3A_492, %div3A_494 : vector<32x1xf32>
    %mul3A_496 = arith.mulf %convert_element_type3A_170, %div3A_485 : vector<32x1xf32>
    %add3A_497 = arith.addf %convert_element_type3A, %mul3A_496 : vector<32x1xf32>
    %convert_element_type3A_498 = arith.fptosi %add3A_497 : vector<32x1xf32> to vector<32x1xi32>
    %mul3A_499 = arith.mulf %convert_element_type3A_170, %div3A_495 : vector<32x1xf32>
    %add3A_500 = arith.addf %convert_element_type3A_169, %mul3A_499 : vector<32x1xf32>
    %convert_element_type3A_501 = arith.fptosi %add3A_500 : vector<32x1xf32> to vector<32x1xi32>
    %sub3A_502 = arith.constant 112 : i32
    %sub3A_503 = vector.broadcast %sub3A_502 : i32 to vector<32x1xi32>
    %sub3A_504 = arith.subi %convert_element_type3A_498, %sub3A_503 : vector<32x1xi32>
    %add3A_505 = arith.constant 112 : i32
    %add3A_506 = vector.broadcast %add3A_505 : i32 to vector<32x1xi32>
    %add3A_507 = arith.addi %convert_element_type3A_498, %add3A_506 : vector<32x1xi32>
    %add3A_508 = arith.constant 0 : i32
    %add3A_509 = vector.broadcast %add3A_508 : i32 to vector<32x1xi32>
    %add3A_510 = arith.addi %add3A_507, %add3A_509 : vector<32x1xi32>
    %sub3A_511 = arith.constant 112 : i32
    %sub3A_512 = vector.broadcast %sub3A_511 : i32 to vector<32x1xi32>
    %sub3A_513 = arith.subi %convert_element_type3A_501, %sub3A_512 : vector<32x1xi32>
    %add3A_514 = arith.constant 112 : i32
    %add3A_515 = vector.broadcast %add3A_514 : i32 to vector<32x1xi32>
    %add3A_516 = arith.addi %convert_element_type3A_501, %add3A_515 : vector<32x1xi32>
    %add3A_517 = arith.constant 0 : i32
    %add3A_518 = vector.broadcast %add3A_517 : i32 to vector<32x1xi32>
    %add3A_519 = arith.addi %add3A_516, %add3A_518 : vector<32x1xi32>
    %min3A_520 = arith.constant 0 : i32
    %min3A_521 = vector.broadcast %min3A_520 : i32 to vector<32x1xi32>
    %min3A_522 = arith.minsi %sub3A_504, %min3A_521 : vector<32x1xi32>
    %sub3A_523 = arith.subi %sub3A_504, %min3A_522 : vector<32x1xi32>
    %sub3A_524 = arith.subi %add3A_510, %min3A_522 : vector<32x1xi32>
    %min3A_525 = arith.constant 0 : i32
    %min3A_526 = vector.broadcast %min3A_525 : i32 to vector<32x1xi32>
    %min3A_527 = arith.minsi %sub3A_513, %min3A_526 : vector<32x1xi32>
    %sub3A_528 = arith.subi %sub3A_513, %min3A_527 : vector<32x1xi32>
    %sub3A_529 = arith.subi %add3A_519, %min3A_527 : vector<32x1xi32>
    %sub3A_530 = arith.subi %sub3A_524, %get3A_101 : vector<32x1xi32>
    %max3A_531 = arith.constant 0 : i32
    %max3A_532 = vector.broadcast %max3A_531 : i32 to vector<32x1xi32>
    %max3A_533 = arith.maxsi %sub3A_530, %max3A_532 : vector<32x1xi32>
    %sub3A_534 = arith.subi %sub3A_523, %max3A_533 : vector<32x1xi32>
    %max3A_535 = arith.constant 0 : i32
    %max3A_536 = vector.broadcast %max3A_535 : i32 to vector<32x1xi32>
    %max3A_537 = arith.maxsi %sub3A_534, %max3A_536 : vector<32x1xi32>
    %sub3A_538 = arith.subi %sub3A_524, %max3A_533 : vector<32x1xi32>
    %sub3A_539 = arith.subi %sub3A_529, %get3A_104 : vector<32x1xi32>
    %max3A_540 = arith.constant 0 : i32
    %max3A_541 = vector.broadcast %max3A_540 : i32 to vector<32x1xi32>
    %max3A_542 = arith.maxsi %sub3A_539, %max3A_541 : vector<32x1xi32>
    %sub3A_543 = arith.subi %sub3A_528, %max3A_542 : vector<32x1xi32>
    %max3A_544 = arith.constant 0 : i32
    %max3A_545 = vector.broadcast %max3A_544 : i32 to vector<32x1xi32>
    %max3A_546 = arith.maxsi %sub3A_543, %max3A_545 : vector<32x1xi32>
    %sub3A_547 = arith.subi %sub3A_529, %max3A_542 : vector<32x1xi32>
    %concatenate3A_548 = tpu.concatenate %max3A_537, %max3A_546, %sub3A_538, %sub3A_547 in 1 : vector<32x1xi32>, vector<32x1xi32>, vector<32x1xi32>, vector<32x1xi32> -> vector<32x4xi32>
    %reduce_max3A_549 = arith.constant dense<0xFF800000> : vector<32xf32>
    %reduce_max3A_550 = vector.multi_reduction <maximumf>, %select_n3A_423, %reduce_max3A_549 [1] : vector<32x361xf32> to vector<32xf32>
    %broadcast_in_dim3A_551 = vector.shape_cast %reduce_max3A_550 : vector<32xf32> to vector<32x1xf32>
    %eq3A_552 = vector.broadcast %broadcast_in_dim3A_551 : vector<32x1xf32> to vector<32x361xf32>
    %eq3A_553 = arith.cmpf oeq, %select_n3A_423, %eq3A_552 : vector<32x361xf32>
    %jit3A_554 = arith.constant 361 : i32
    %broadcast_in_dim3A_555 = vector.broadcast %jit3A_554 : i32 to vector<32x361xi32>
    %select_n3A_556 = arith.select %eq3A_553, %iota3A, %broadcast_in_dim3A_555 : vector<32x361xi1>, vector<32x361xi32>
    %reduce_min3A_557 = arith.constant dense<2147483647> : vector<32xi32>
    %reduce_min3A_558 = vector.multi_reduction <minsi>, %select_n3A_556, %reduce_min3A_557 [1] : vector<32x361xi32> to vector<32xi32>
    %broadcast_in_dim3A_559 = vector.shape_cast %reduce_min3A_558 : vector<32xi32> to vector<32x1xi32>
    %broadcast_in_dim3A_560 = arith.constant 0xFF800000 : f32
    %broadcast_in_dim3A_561 = vector.broadcast %broadcast_in_dim3A_560 : f32 to vector<32x361xf32>
    %broadcast_in_dim3A_562 = arith.constant 0xFF800000 : f32
    %broadcast_in_dim3A_563 = vector.broadcast %broadcast_in_dim3A_562 : f32 to vector<32x20xf32>
    %slice3A_564 = vector.extract_strided_slice %select_n3A_423 {offsets = [0, 0], sizes = [32, 341], strides = [1, 1]} : vector<32x361xf32> to vector<32x341xf32>
    %concatenate3A_565 = tpu.concatenate %broadcast_in_dim3A_563, %slice3A_564 in 1 : vector<32x20xf32>, vector<32x341xf32> -> vector<32x361xf32>
    %add3A_566 = arith.constant -1 : i32
    %add3A_567 = vector.broadcast %add3A_566 : i32 to vector<32x361xi32>
    %add3A_568 = arith.addi %select_n3A_98, %add3A_567 : vector<32x361xi32>
    %ge3A_569 = arith.constant 0 : i32
    %ge3A_570 = vector.broadcast %ge3A_569 : i32 to vector<32x361xi32>
    %ge3A_571 = arith.cmpi sge, %add3A_568, %ge3A_570 : vector<32x361xi32>
    %add3A_572 = arith.constant -1 : i32
    %add3A_573 = vector.broadcast %add3A_572 : i32 to vector<32x361xi32>
    %add3A_574 = arith.addi %select_n3A_98, %add3A_573 : vector<32x361xi32>
    %lt3A_575 = arith.constant 19 : i32
    %lt3A_576 = vector.broadcast %lt3A_575 : i32 to vector<32x361xi32>
    %lt3A_577 = arith.cmpi slt, %add3A_574, %lt3A_576 : vector<32x361xi32>
    %and3A_578 = arith.andi %ge3A_571, %lt3A_577 : vector<32x361xi1>
    %jit3A_579 = arith.constant 0xFF800000 : f32
    %broadcast_in_dim3A_580 = vector.broadcast %jit3A_579 : f32 to vector<32x361xf32>
    %select_n3A_581 = arith.select %and3A_578, %concatenate3A_565, %broadcast_in_dim3A_580 : vector<32x361xi1>, vector<32x361xf32>
    %max3A_582 = arith.maximumf %broadcast_in_dim3A_561, %select_n3A_581 : vector<32x361xf32>
    %broadcast_in_dim3A_583 = arith.constant 0xFF800000 : f32
    %broadcast_in_dim3A_584 = vector.broadcast %broadcast_in_dim3A_583 : f32 to vector<32x19xf32>
    %slice3A_585 = vector.extract_strided_slice %select_n3A_423 {offsets = [0, 0], sizes = [32, 342], strides = [1, 1]} : vector<32x361xf32> to vector<32x342xf32>
    %concatenate3A_586 = tpu.concatenate %broadcast_in_dim3A_584, %slice3A_585 in 1 : vector<32x19xf32>, vector<32x342xf32> -> vector<32x361xf32>
    %add3A_587 = arith.constant 0 : i32
    %add3A_588 = vector.broadcast %add3A_587 : i32 to vector<32x361xi32>
    %add3A_589 = arith.addi %select_n3A_98, %add3A_588 : vector<32x361xi32>
    %ge3A_590 = arith.constant 0 : i32
    %ge3A_591 = vector.broadcast %ge3A_590 : i32 to vector<32x361xi32>
    %ge3A_592 = arith.cmpi sge, %add3A_589, %ge3A_591 : vector<32x361xi32>
    %add3A_593 = arith.constant 0 : i32
    %add3A_594 = vector.broadcast %add3A_593 : i32 to vector<32x361xi32>
    %add3A_595 = arith.addi %select_n3A_98, %add3A_594 : vector<32x361xi32>
    %lt3A_596 = arith.constant 19 : i32
    %lt3A_597 = vector.broadcast %lt3A_596 : i32 to vector<32x361xi32>
    %lt3A_598 = arith.cmpi slt, %add3A_595, %lt3A_597 : vector<32x361xi32>
    %and3A_599 = arith.andi %ge3A_592, %lt3A_598 : vector<32x361xi1>
    %jit3A_600 = arith.constant 0xFF800000 : f32
    %broadcast_in_dim3A_601 = vector.broadcast %jit3A_600 : f32 to vector<32x361xf32>
    %select_n3A_602 = arith.select %and3A_599, %concatenate3A_586, %broadcast_in_dim3A_601 : vector<32x361xi1>, vector<32x361xf32>
    %max3A_603 = arith.maximumf %max3A_582, %select_n3A_602 : vector<32x361xf32>
    %broadcast_in_dim3A_604 = arith.constant 0xFF800000 : f32
    %broadcast_in_dim3A_605 = vector.broadcast %broadcast_in_dim3A_604 : f32 to vector<32x18xf32>
    %slice3A_606 = vector.extract_strided_slice %select_n3A_423 {offsets = [0, 0], sizes = [32, 343], strides = [1, 1]} : vector<32x361xf32> to vector<32x343xf32>
    %concatenate3A_607 = tpu.concatenate %broadcast_in_dim3A_605, %slice3A_606 in 1 : vector<32x18xf32>, vector<32x343xf32> -> vector<32x361xf32>
    %add3A_608 = arith.constant 1 : i32
    %add3A_609 = vector.broadcast %add3A_608 : i32 to vector<32x361xi32>
    %add3A_610 = arith.addi %select_n3A_98, %add3A_609 : vector<32x361xi32>
    %ge3A_611 = arith.constant 0 : i32
    %ge3A_612 = vector.broadcast %ge3A_611 : i32 to vector<32x361xi32>
    %ge3A_613 = arith.cmpi sge, %add3A_610, %ge3A_612 : vector<32x361xi32>
    %add3A_614 = arith.constant 1 : i32
    %add3A_615 = vector.broadcast %add3A_614 : i32 to vector<32x361xi32>
    %add3A_616 = arith.addi %select_n3A_98, %add3A_615 : vector<32x361xi32>
    %lt3A_617 = arith.constant 19 : i32
    %lt3A_618 = vector.broadcast %lt3A_617 : i32 to vector<32x361xi32>
    %lt3A_619 = arith.cmpi slt, %add3A_616, %lt3A_618 : vector<32x361xi32>
    %and3A_620 = arith.andi %ge3A_613, %lt3A_619 : vector<32x361xi1>
    %jit3A_621 = arith.constant 0xFF800000 : f32
    %broadcast_in_dim3A_622 = vector.broadcast %jit3A_621 : f32 to vector<32x361xf32>
    %select_n3A_623 = arith.select %and3A_620, %concatenate3A_607, %broadcast_in_dim3A_622 : vector<32x361xi1>, vector<32x361xf32>
    %max3A_624 = arith.maximumf %max3A_603, %select_n3A_623 : vector<32x361xf32>
    %broadcast_in_dim3A_625 = arith.constant 0xFF800000 : f32
    %broadcast_in_dim3A_626 = vector.broadcast %broadcast_in_dim3A_625 : f32 to vector<32x1xf32>
    %slice3A_627 = vector.extract_strided_slice %select_n3A_423 {offsets = [0, 0], sizes = [32, 360], strides = [1, 1]} : vector<32x361xf32> to vector<32x360xf32>
    %concatenate3A_628 = tpu.concatenate %broadcast_in_dim3A_626, %slice3A_627 in 1 : vector<32x1xf32>, vector<32x360xf32> -> vector<32x361xf32>
    %add3A_629 = arith.constant -1 : i32
    %add3A_630 = vector.broadcast %add3A_629 : i32 to vector<32x361xi32>
    %add3A_631 = arith.addi %select_n3A_98, %add3A_630 : vector<32x361xi32>
    %ge3A_632 = arith.constant 0 : i32
    %ge3A_633 = vector.broadcast %ge3A_632 : i32 to vector<32x361xi32>
    %ge3A_634 = arith.cmpi sge, %add3A_631, %ge3A_633 : vector<32x361xi32>
    %add3A_635 = arith.constant -1 : i32
    %add3A_636 = vector.broadcast %add3A_635 : i32 to vector<32x361xi32>
    %add3A_637 = arith.addi %select_n3A_98, %add3A_636 : vector<32x361xi32>
    %lt3A_638 = arith.constant 19 : i32
    %lt3A_639 = vector.broadcast %lt3A_638 : i32 to vector<32x361xi32>
    %lt3A_640 = arith.cmpi slt, %add3A_637, %lt3A_639 : vector<32x361xi32>
    %and3A_641 = arith.andi %ge3A_634, %lt3A_640 : vector<32x361xi1>
    %jit3A_642 = arith.constant 0xFF800000 : f32
    %broadcast_in_dim3A_643 = vector.broadcast %jit3A_642 : f32 to vector<32x361xf32>
    %select_n3A_644 = arith.select %and3A_641, %concatenate3A_628, %broadcast_in_dim3A_643 : vector<32x361xi1>, vector<32x361xf32>
    %max3A_645 = arith.maximumf %max3A_624, %select_n3A_644 : vector<32x361xf32>
    %add3A_646 = arith.constant 0 : i32
    %add3A_647 = vector.broadcast %add3A_646 : i32 to vector<32x361xi32>
    %add3A_648 = arith.addi %select_n3A_98, %add3A_647 : vector<32x361xi32>
    %ge3A_649 = arith.constant 0 : i32
    %ge3A_650 = vector.broadcast %ge3A_649 : i32 to vector<32x361xi32>
    %ge3A_651 = arith.cmpi sge, %add3A_648, %ge3A_650 : vector<32x361xi32>
    %add3A_652 = arith.constant 0 : i32
    %add3A_653 = vector.broadcast %add3A_652 : i32 to vector<32x361xi32>
    %add3A_654 = arith.addi %select_n3A_98, %add3A_653 : vector<32x361xi32>
    %lt3A_655 = arith.constant 19 : i32
    %lt3A_656 = vector.broadcast %lt3A_655 : i32 to vector<32x361xi32>
    %lt3A_657 = arith.cmpi slt, %add3A_654, %lt3A_656 : vector<32x361xi32>
    %and3A_658 = arith.andi %ge3A_651, %lt3A_657 : vector<32x361xi1>
    %jit3A_659 = arith.constant 0xFF800000 : f32
    %broadcast_in_dim3A_660 = vector.broadcast %jit3A_659 : f32 to vector<32x361xf32>
    %select_n3A_661 = arith.select %and3A_658, %select_n3A_423, %broadcast_in_dim3A_660 : vector<32x361xi1>, vector<32x361xf32>
    %max3A_662 = arith.maximumf %max3A_645, %select_n3A_661 : vector<32x361xf32>
    %broadcast_in_dim3A_663 = arith.constant 0xFF800000 : f32
    %broadcast_in_dim3A_664 = vector.broadcast %broadcast_in_dim3A_663 : f32 to vector<32x1xf32>
    %slice3A_665 = vector.extract_strided_slice %select_n3A_423 {offsets = [0, 1], sizes = [32, 360], strides = [1, 1]} : vector<32x361xf32> to vector<32x360xf32>
    %concatenate3A_666 = tpu.concatenate %slice3A_665, %broadcast_in_dim3A_664 in 1 : vector<32x360xf32>, vector<32x1xf32> -> vector<32x361xf32>
    %add3A_667 = arith.constant 1 : i32
    %add3A_668 = vector.broadcast %add3A_667 : i32 to vector<32x361xi32>
    %add3A_669 = arith.addi %select_n3A_98, %add3A_668 : vector<32x361xi32>
    %ge3A_670 = arith.constant 0 : i32
    %ge3A_671 = vector.broadcast %ge3A_670 : i32 to vector<32x361xi32>
    %ge3A_672 = arith.cmpi sge, %add3A_669, %ge3A_671 : vector<32x361xi32>
    %add3A_673 = arith.constant 1 : i32
    %add3A_674 = vector.broadcast %add3A_673 : i32 to vector<32x361xi32>
    %add3A_675 = arith.addi %select_n3A_98, %add3A_674 : vector<32x361xi32>
    %lt3A_676 = arith.constant 19 : i32
    %lt3A_677 = vector.broadcast %lt3A_676 : i32 to vector<32x361xi32>
    %lt3A_678 = arith.cmpi slt, %add3A_675, %lt3A_677 : vector<32x361xi32>
    %and3A_679 = arith.andi %ge3A_672, %lt3A_678 : vector<32x361xi1>
    %jit3A_680 = arith.constant 0xFF800000 : f32
    %broadcast_in_dim3A_681 = vector.broadcast %jit3A_680 : f32 to vector<32x361xf32>
    %select_n3A_682 = arith.select %and3A_679, %concatenate3A_666, %broadcast_in_dim3A_681 : vector<32x361xi1>, vector<32x361xf32>
    %max3A_683 = arith.maximumf %max3A_662, %select_n3A_682 : vector<32x361xf32>
    %broadcast_in_dim3A_684 = arith.constant 0xFF800000 : f32
    %broadcast_in_dim3A_685 = vector.broadcast %broadcast_in_dim3A_684 : f32 to vector<32x18xf32>
    %slice3A_686 = vector.extract_strided_slice %select_n3A_423 {offsets = [0, 18], sizes = [32, 343], strides = [1, 1]} : vector<32x361xf32> to vector<32x343xf32>
    %concatenate3A_687 = tpu.concatenate %slice3A_686, %broadcast_in_dim3A_685 in 1 : vector<32x343xf32>, vector<32x18xf32> -> vector<32x361xf32>
    %add3A_688 = arith.constant -1 : i32
    %add3A_689 = vector.broadcast %add3A_688 : i32 to vector<32x361xi32>
    %add3A_690 = arith.addi %select_n3A_98, %add3A_689 : vector<32x361xi32>
    %ge3A_691 = arith.constant 0 : i32
    %ge3A_692 = vector.broadcast %ge3A_691 : i32 to vector<32x361xi32>
    %ge3A_693 = arith.cmpi sge, %add3A_690, %ge3A_692 : vector<32x361xi32>
    %add3A_694 = arith.constant -1 : i32
    %add3A_695 = vector.broadcast %add3A_694 : i32 to vector<32x361xi32>
    %add3A_696 = arith.addi %select_n3A_98, %add3A_695 : vector<32x361xi32>
    %lt3A_697 = arith.constant 19 : i32
    %lt3A_698 = vector.broadcast %lt3A_697 : i32 to vector<32x361xi32>
    %lt3A_699 = arith.cmpi slt, %add3A_696, %lt3A_698 : vector<32x361xi32>
    %and3A_700 = arith.andi %ge3A_693, %lt3A_699 : vector<32x361xi1>
    %jit3A_701 = arith.constant 0xFF800000 : f32
    %broadcast_in_dim3A_702 = vector.broadcast %jit3A_701 : f32 to vector<32x361xf32>
    %select_n3A_703 = arith.select %and3A_700, %concatenate3A_687, %broadcast_in_dim3A_702 : vector<32x361xi1>, vector<32x361xf32>
    %max3A_704 = arith.maximumf %max3A_683, %select_n3A_703 : vector<32x361xf32>
    %broadcast_in_dim3A_705 = arith.constant 0xFF800000 : f32
    %broadcast_in_dim3A_706 = vector.broadcast %broadcast_in_dim3A_705 : f32 to vector<32x19xf32>
    %slice3A_707 = vector.extract_strided_slice %select_n3A_423 {offsets = [0, 19], sizes = [32, 342], strides = [1, 1]} : vector<32x361xf32> to vector<32x342xf32>
    %concatenate3A_708 = tpu.concatenate %slice3A_707, %broadcast_in_dim3A_706 in 1 : vector<32x342xf32>, vector<32x19xf32> -> vector<32x361xf32>
    %add3A_709 = arith.constant 0 : i32
    %add3A_710 = vector.broadcast %add3A_709 : i32 to vector<32x361xi32>
    %add3A_711 = arith.addi %select_n3A_98, %add3A_710 : vector<32x361xi32>
    %ge3A_712 = arith.constant 0 : i32
    %ge3A_713 = vector.broadcast %ge3A_712 : i32 to vector<32x361xi32>
    %ge3A_714 = arith.cmpi sge, %add3A_711, %ge3A_713 : vector<32x361xi32>
    %add3A_715 = arith.constant 0 : i32
    %add3A_716 = vector.broadcast %add3A_715 : i32 to vector<32x361xi32>
    %add3A_717 = arith.addi %select_n3A_98, %add3A_716 : vector<32x361xi32>
    %lt3A_718 = arith.constant 19 : i32
    %lt3A_719 = vector.broadcast %lt3A_718 : i32 to vector<32x361xi32>
    %lt3A_720 = arith.cmpi slt, %add3A_717, %lt3A_719 : vector<32x361xi32>
    %and3A_721 = arith.andi %ge3A_714, %lt3A_720 : vector<32x361xi1>
    %jit3A_722 = arith.constant 0xFF800000 : f32
    %broadcast_in_dim3A_723 = vector.broadcast %jit3A_722 : f32 to vector<32x361xf32>
    %select_n3A_724 = arith.select %and3A_721, %concatenate3A_708, %broadcast_in_dim3A_723 : vector<32x361xi1>, vector<32x361xf32>
    %max3A_725 = arith.maximumf %max3A_704, %select_n3A_724 : vector<32x361xf32>
    %broadcast_in_dim3A_726 = arith.constant 0xFF800000 : f32
    %broadcast_in_dim3A_727 = vector.broadcast %broadcast_in_dim3A_726 : f32 to vector<32x20xf32>
    %slice3A_728 = vector.extract_strided_slice %select_n3A_423 {offsets = [0, 20], sizes = [32, 341], strides = [1, 1]} : vector<32x361xf32> to vector<32x341xf32>
    %concatenate3A_729 = tpu.concatenate %slice3A_728, %broadcast_in_dim3A_727 in 1 : vector<32x341xf32>, vector<32x20xf32> -> vector<32x361xf32>
    %add3A_730 = arith.constant 1 : i32
    %add3A_731 = vector.broadcast %add3A_730 : i32 to vector<32x361xi32>
    %add3A_732 = arith.addi %select_n3A_98, %add3A_731 : vector<32x361xi32>
    %ge3A_733 = arith.constant 0 : i32
    %ge3A_734 = vector.broadcast %ge3A_733 : i32 to vector<32x361xi32>
    %ge3A_735 = arith.cmpi sge, %add3A_732, %ge3A_734 : vector<32x361xi32>
    %add3A_736 = arith.constant 1 : i32
    %add3A_737 = vector.broadcast %add3A_736 : i32 to vector<32x361xi32>
    %add3A_738 = arith.addi %select_n3A_98, %add3A_737 : vector<32x361xi32>
    %lt3A_739 = arith.constant 19 : i32
    %lt3A_740 = vector.broadcast %lt3A_739 : i32 to vector<32x361xi32>
    %lt3A_741 = arith.cmpi slt, %add3A_738, %lt3A_740 : vector<32x361xi32>
    %and3A_742 = arith.andi %ge3A_735, %lt3A_741 : vector<32x361xi1>
    %jit3A_743 = arith.constant 0xFF800000 : f32
    %broadcast_in_dim3A_744 = vector.broadcast %jit3A_743 : f32 to vector<32x361xf32>
    %select_n3A_745 = arith.select %and3A_742, %concatenate3A_729, %broadcast_in_dim3A_744 : vector<32x361xi1>, vector<32x361xf32>
    %max3A_746 = arith.maximumf %max3A_725, %select_n3A_745 : vector<32x361xf32>
    %eq3A_747 = vector.broadcast %broadcast_in_dim3A_551 : vector<32x1xf32> to vector<32x361xf32>
    %eq3A_748 = arith.cmpf oeq, %max3A_746, %eq3A_747 : vector<32x361xf32>
    %and3A_749 = arith.andi %eq3A_748, %and3A_220 : vector<32x361xi1>
    %jit3A_750 = arith.constant 0.000000e+00 : f32
    %broadcast_in_dim3A_751 = vector.broadcast %jit3A_750 : f32 to vector<32x361xf32>
    %select_n3A_752 = arith.select %and3A_749, %broadcast_in_dim3A_751, %select_n3A_423 : vector<32x361xi1>, vector<32x361xf32>
    %jit3A_753 = arith.constant 19 : i32
    %div3A_754 = vector.broadcast %jit3A_753 : i32 to vector<32x1xi32>
    %div3A_755 = arith.divsi %broadcast_in_dim3A_559, %div3A_754 : vector<32x1xi32>
    %sign3A_756 = arith.constant 0 : i32
    %sign3A_757 = vector.broadcast %sign3A_756 : i32 to vector<32x1xi32>
    %sign3A_758 = arith.cmpi sgt, %broadcast_in_dim3A_559, %sign3A_757 : vector<32x1xi32>
    %sign3A_759 = arith.extui %sign3A_758 : vector<32x1xi1> to vector<32x1xi32>
    %sign3A_760 = arith.constant 0 : i32
    %sign3A_761 = vector.broadcast %sign3A_760 : i32 to vector<32x1xi32>
    %sign3A_762 = arith.cmpi slt, %broadcast_in_dim3A_559, %sign3A_761 : vector<32x1xi32>
    %sign3A_763 = arith.extui %sign3A_762 : vector<32x1xi1> to vector<32x1xi32>
    %sign3A_764 = arith.subi %sign3A_759, %sign3A_763 : vector<32x1xi32>
    %sign3A_765 = arith.constant 0 : i32
    %sign3A_766 = arith.cmpi sgt, %jit3A_753, %sign3A_765 : i32
    %sign3A_767 = arith.extui %sign3A_766 : i1 to i32
    %sign3A_768 = arith.constant 0 : i32
    %sign3A_769 = arith.cmpi slt, %jit3A_753, %sign3A_768 : i32
    %sign3A_770 = arith.extui %sign3A_769 : i1 to i32
    %sign3A_771 = arith.subi %sign3A_767, %sign3A_770 : i32
    %ne3A_772 = vector.broadcast %sign3A_771 : i32 to vector<32x1xi32>
    %ne3A_773 = arith.cmpi ne, %sign3A_764, %ne3A_772 : vector<32x1xi32>
    %rem3A_774 = vector.broadcast %jit3A_753 : i32 to vector<32x1xi32>
    %rem3A_775 = arith.remsi %broadcast_in_dim3A_559, %rem3A_774 : vector<32x1xi32>
    %ne3A_776 = arith.constant 0 : i32
    %ne3A_777 = vector.broadcast %ne3A_776 : i32 to vector<32x1xi32>
    %ne3A_778 = arith.cmpi ne, %rem3A_775, %ne3A_777 : vector<32x1xi32>
    %and3A_779 = arith.andi %ne3A_773, %ne3A_778 : vector<32x1xi1>
    %sub3A_780 = arith.constant 1 : i32
    %sub3A_781 = vector.broadcast %sub3A_780 : i32 to vector<32x1xi32>
    %sub3A_782 = arith.subi %div3A_755, %sub3A_781 : vector<32x1xi32>
    %select_n3A_783 = arith.select %and3A_779, %sub3A_782, %div3A_755 : vector<32x1xi1>, vector<32x1xi32>
    %jit3A_784 = arith.constant 19 : i32
    %eq3A_785 = arith.constant 0 : i32
    %eq3A_786 = arith.cmpi eq, %jit3A_784, %eq3A_785 : i32
    %jit3A_787 = arith.constant 1 : i32
    %select_n3A_788 = arith.select %eq3A_786, %jit3A_787, %jit3A_784 : i32
    %rem3A_789 = vector.broadcast %select_n3A_788 : i32 to vector<32x1xi32>
    %rem3A_790 = arith.remsi %broadcast_in_dim3A_559, %rem3A_789 : vector<32x1xi32>
    %ne3A_791 = arith.constant 0 : i32
    %ne3A_792 = vector.broadcast %ne3A_791 : i32 to vector<32x1xi32>
    %ne3A_793 = arith.cmpi ne, %rem3A_790, %ne3A_792 : vector<32x1xi32>
    %lt3A_794 = arith.constant 0 : i32
    %lt3A_795 = vector.broadcast %lt3A_794 : i32 to vector<32x1xi32>
    %lt3A_796 = arith.cmpi slt, %rem3A_790, %lt3A_795 : vector<32x1xi32>
    %lt3A_797 = arith.constant 0 : i32
    %lt3A_798 = arith.cmpi slt, %select_n3A_788, %lt3A_797 : i32
    %ne3A_799 = vector.broadcast %lt3A_798 : i1 to vector<32x1xi1>
    %ne3A_800 = vector.broadcast %ne3A_799 : vector<32x1xi1> to vector<32x1xi1>
    %ne3A_801 = arith.xori %lt3A_796, %ne3A_800 : vector<32x1xi1>
    %and3A_802 = arith.andi %ne3A_801, %ne3A_793 : vector<32x1xi1>
    %add3A_803 = vector.broadcast %select_n3A_788 : i32 to vector<32x1xi32>
    %add3A_804 = arith.addi %rem3A_790, %add3A_803 : vector<32x1xi32>
    %select_n3A_805 = arith.select %and3A_802, %add3A_804, %rem3A_790 : vector<32x1xi1>, vector<32x1xi32>
    %convert_element_type3A_806 = arith.sitofp %select_n3A_783 : vector<32x1xi32> to vector<32x1xf32>
    %mul3A_807 = arith.constant 2.000000e+00 : f32
    %mul3A_808 = vector.broadcast %mul3A_807 : f32 to vector<32x1xf32>
    %mul3A_809 = arith.mulf %mul3A_808, %convert_element_type3A_806 : vector<32x1xf32>
    %add3A_810 = arith.constant 3.000000e+00 : f32
    %add3A_811 = vector.broadcast %add3A_810 : f32 to vector<32x1xf32>
    %add3A_812 = arith.addf %mul3A_809, %add3A_811 : vector<32x1xf32>
    %div3A_813 = arith.constant 3.800000e+01 : f32
    %div3A_814 = vector.broadcast %div3A_813 : f32 to vector<32x1xf32>
    %div3A_815 = arith.divf %add3A_812, %div3A_814 : vector<32x1xf32>
    %convert_element_type3A_816 = arith.sitofp %select_n3A_805 : vector<32x1xi32> to vector<32x1xf32>
    %mul3A_817 = arith.constant 2.000000e+00 : f32
    %mul3A_818 = vector.broadcast %mul3A_817 : f32 to vector<32x1xf32>
    %mul3A_819 = arith.mulf %mul3A_818, %convert_element_type3A_816 : vector<32x1xf32>
    %add3A_820 = arith.constant 3.000000e+00 : f32
    %add3A_821 = vector.broadcast %add3A_820 : f32 to vector<32x1xf32>
    %add3A_822 = arith.addf %mul3A_819, %add3A_821 : vector<32x1xf32>
    %div3A_823 = arith.constant 3.800000e+01 : f32
    %div3A_824 = vector.broadcast %div3A_823 : f32 to vector<32x1xf32>
    %div3A_825 = arith.divf %add3A_822, %div3A_824 : vector<32x1xf32>
    %mul3A_826 = arith.mulf %convert_element_type3A_170, %div3A_815 : vector<32x1xf32>
    %add3A_827 = arith.addf %convert_element_type3A, %mul3A_826 : vector<32x1xf32>
    %convert_element_type3A_828 = arith.fptosi %add3A_827 : vector<32x1xf32> to vector<32x1xi32>
    %mul3A_829 = arith.mulf %convert_element_type3A_170, %div3A_825 : vector<32x1xf32>
    %add3A_830 = arith.addf %convert_element_type3A_169, %mul3A_829 : vector<32x1xf32>
    %convert_element_type3A_831 = arith.fptosi %add3A_830 : vector<32x1xf32> to vector<32x1xi32>
    %sub3A_832 = arith.constant 112 : i32
    %sub3A_833 = vector.broadcast %sub3A_832 : i32 to vector<32x1xi32>
    %sub3A_834 = arith.subi %convert_element_type3A_828, %sub3A_833 : vector<32x1xi32>
    %add3A_835 = arith.constant 112 : i32
    %add3A_836 = vector.broadcast %add3A_835 : i32 to vector<32x1xi32>
    %add3A_837 = arith.addi %convert_element_type3A_828, %add3A_836 : vector<32x1xi32>
    %add3A_838 = arith.constant 0 : i32
    %add3A_839 = vector.broadcast %add3A_838 : i32 to vector<32x1xi32>
    %add3A_840 = arith.addi %add3A_837, %add3A_839 : vector<32x1xi32>
    %sub3A_841 = arith.constant 112 : i32
    %sub3A_842 = vector.broadcast %sub3A_841 : i32 to vector<32x1xi32>
    %sub3A_843 = arith.subi %convert_element_type3A_831, %sub3A_842 : vector<32x1xi32>
    %add3A_844 = arith.constant 112 : i32
    %add3A_845 = vector.broadcast %add3A_844 : i32 to vector<32x1xi32>
    %add3A_846 = arith.addi %convert_element_type3A_831, %add3A_845 : vector<32x1xi32>
    %add3A_847 = arith.constant 0 : i32
    %add3A_848 = vector.broadcast %add3A_847 : i32 to vector<32x1xi32>
    %add3A_849 = arith.addi %add3A_846, %add3A_848 : vector<32x1xi32>
    %min3A_850 = arith.constant 0 : i32
    %min3A_851 = vector.broadcast %min3A_850 : i32 to vector<32x1xi32>
    %min3A_852 = arith.minsi %sub3A_834, %min3A_851 : vector<32x1xi32>
    %sub3A_853 = arith.subi %sub3A_834, %min3A_852 : vector<32x1xi32>
    %sub3A_854 = arith.subi %add3A_840, %min3A_852 : vector<32x1xi32>
    %min3A_855 = arith.constant 0 : i32
    %min3A_856 = vector.broadcast %min3A_855 : i32 to vector<32x1xi32>
    %min3A_857 = arith.minsi %sub3A_843, %min3A_856 : vector<32x1xi32>
    %sub3A_858 = arith.subi %sub3A_843, %min3A_857 : vector<32x1xi32>
    %sub3A_859 = arith.subi %add3A_849, %min3A_857 : vector<32x1xi32>
    %sub3A_860 = arith.subi %sub3A_854, %get3A_101 : vector<32x1xi32>
    %max3A_861 = arith.constant 0 : i32
    %max3A_862 = vector.broadcast %max3A_861 : i32 to vector<32x1xi32>
    %max3A_863 = arith.maxsi %sub3A_860, %max3A_862 : vector<32x1xi32>
    %sub3A_864 = arith.subi %sub3A_853, %max3A_863 : vector<32x1xi32>
    %max3A_865 = arith.constant 0 : i32
    %max3A_866 = vector.broadcast %max3A_865 : i32 to vector<32x1xi32>
    %max3A_867 = arith.maxsi %sub3A_864, %max3A_866 : vector<32x1xi32>
    %sub3A_868 = arith.subi %sub3A_854, %max3A_863 : vector<32x1xi32>
    %sub3A_869 = arith.subi %sub3A_859, %get3A_104 : vector<32x1xi32>
    %max3A_870 = arith.constant 0 : i32
    %max3A_871 = vector.broadcast %max3A_870 : i32 to vector<32x1xi32>
    %max3A_872 = arith.maxsi %sub3A_869, %max3A_871 : vector<32x1xi32>
    %sub3A_873 = arith.subi %sub3A_858, %max3A_872 : vector<32x1xi32>
    %max3A_874 = arith.constant 0 : i32
    %max3A_875 = vector.broadcast %max3A_874 : i32 to vector<32x1xi32>
    %max3A_876 = arith.maxsi %sub3A_873, %max3A_875 : vector<32x1xi32>
    %sub3A_877 = arith.subi %sub3A_859, %max3A_872 : vector<32x1xi32>
    %concatenate3A_878 = tpu.concatenate %max3A_867, %max3A_876, %sub3A_868, %sub3A_877 in 1 : vector<32x1xi32>, vector<32x1xi32>, vector<32x1xi32>, vector<32x1xi32> -> vector<32x4xi32>
    %reduce_max3A_879 = arith.constant dense<0xFF800000> : vector<32xf32>
    %reduce_max3A_880 = vector.multi_reduction <maximumf>, %select_n3A_752, %reduce_max3A_879 [1] : vector<32x361xf32> to vector<32xf32>
    %broadcast_in_dim3A_881 = vector.shape_cast %reduce_max3A_880 : vector<32xf32> to vector<32x1xf32>
    %eq3A_882 = vector.broadcast %broadcast_in_dim3A_881 : vector<32x1xf32> to vector<32x361xf32>
    %eq3A_883 = arith.cmpf oeq, %select_n3A_752, %eq3A_882 : vector<32x361xf32>
    %jit3A_884 = arith.constant 361 : i32
    %broadcast_in_dim3A_885 = vector.broadcast %jit3A_884 : i32 to vector<32x361xi32>
    %select_n3A_886 = arith.select %eq3A_883, %iota3A, %broadcast_in_dim3A_885 : vector<32x361xi1>, vector<32x361xi32>
    %reduce_min3A_887 = arith.constant dense<2147483647> : vector<32xi32>
    %reduce_min3A_888 = vector.multi_reduction <minsi>, %select_n3A_886, %reduce_min3A_887 [1] : vector<32x361xi32> to vector<32xi32>
    %broadcast_in_dim3A_889 = vector.shape_cast %reduce_min3A_888 : vector<32xi32> to vector<32x1xi32>
    %jit3A_890 = arith.constant 19 : i32
    %div3A_891 = vector.broadcast %jit3A_890 : i32 to vector<32x1xi32>
    %div3A_892 = arith.divsi %broadcast_in_dim3A_889, %div3A_891 : vector<32x1xi32>
    %sign3A_893 = arith.constant 0 : i32
    %sign3A_894 = vector.broadcast %sign3A_893 : i32 to vector<32x1xi32>
    %sign3A_895 = arith.cmpi sgt, %broadcast_in_dim3A_889, %sign3A_894 : vector<32x1xi32>
    %sign3A_896 = arith.extui %sign3A_895 : vector<32x1xi1> to vector<32x1xi32>
    %sign3A_897 = arith.constant 0 : i32
    %sign3A_898 = vector.broadcast %sign3A_897 : i32 to vector<32x1xi32>
    %sign3A_899 = arith.cmpi slt, %broadcast_in_dim3A_889, %sign3A_898 : vector<32x1xi32>
    %sign3A_900 = arith.extui %sign3A_899 : vector<32x1xi1> to vector<32x1xi32>
    %sign3A_901 = arith.subi %sign3A_896, %sign3A_900 : vector<32x1xi32>
    %sign3A_902 = arith.constant 0 : i32
    %sign3A_903 = arith.cmpi sgt, %jit3A_890, %sign3A_902 : i32
    %sign3A_904 = arith.extui %sign3A_903 : i1 to i32
    %sign3A_905 = arith.constant 0 : i32
    %sign3A_906 = arith.cmpi slt, %jit3A_890, %sign3A_905 : i32
    %sign3A_907 = arith.extui %sign3A_906 : i1 to i32
    %sign3A_908 = arith.subi %sign3A_904, %sign3A_907 : i32
    %ne3A_909 = vector.broadcast %sign3A_908 : i32 to vector<32x1xi32>
    %ne3A_910 = arith.cmpi ne, %sign3A_901, %ne3A_909 : vector<32x1xi32>
    %rem3A_911 = vector.broadcast %jit3A_890 : i32 to vector<32x1xi32>
    %rem3A_912 = arith.remsi %broadcast_in_dim3A_889, %rem3A_911 : vector<32x1xi32>
    %ne3A_913 = arith.constant 0 : i32
    %ne3A_914 = vector.broadcast %ne3A_913 : i32 to vector<32x1xi32>
    %ne3A_915 = arith.cmpi ne, %rem3A_912, %ne3A_914 : vector<32x1xi32>
    %and3A_916 = arith.andi %ne3A_910, %ne3A_915 : vector<32x1xi1>
    %sub3A_917 = arith.constant 1 : i32
    %sub3A_918 = vector.broadcast %sub3A_917 : i32 to vector<32x1xi32>
    %sub3A_919 = arith.subi %div3A_892, %sub3A_918 : vector<32x1xi32>
    %select_n3A_920 = arith.select %and3A_916, %sub3A_919, %div3A_892 : vector<32x1xi1>, vector<32x1xi32>
    %jit3A_921 = arith.constant 19 : i32
    %eq3A_922 = arith.constant 0 : i32
    %eq3A_923 = arith.cmpi eq, %jit3A_921, %eq3A_922 : i32
    %jit3A_924 = arith.constant 1 : i32
    %select_n3A_925 = arith.select %eq3A_923, %jit3A_924, %jit3A_921 : i32
    %rem3A_926 = vector.broadcast %select_n3A_925 : i32 to vector<32x1xi32>
    %rem3A_927 = arith.remsi %broadcast_in_dim3A_889, %rem3A_926 : vector<32x1xi32>
    %ne3A_928 = arith.constant 0 : i32
    %ne3A_929 = vector.broadcast %ne3A_928 : i32 to vector<32x1xi32>
    %ne3A_930 = arith.cmpi ne, %rem3A_927, %ne3A_929 : vector<32x1xi32>
    %lt3A_931 = arith.constant 0 : i32
    %lt3A_932 = vector.broadcast %lt3A_931 : i32 to vector<32x1xi32>
    %lt3A_933 = arith.cmpi slt, %rem3A_927, %lt3A_932 : vector<32x1xi32>
    %lt3A_934 = arith.constant 0 : i32
    %lt3A_935 = arith.cmpi slt, %select_n3A_925, %lt3A_934 : i32
    %ne3A_936 = vector.broadcast %lt3A_935 : i1 to vector<32x1xi1>
    %ne3A_937 = vector.broadcast %ne3A_936 : vector<32x1xi1> to vector<32x1xi1>
    %ne3A_938 = arith.xori %lt3A_933, %ne3A_937 : vector<32x1xi1>
    %and3A_939 = arith.andi %ne3A_938, %ne3A_930 : vector<32x1xi1>
    %add3A_940 = vector.broadcast %select_n3A_925 : i32 to vector<32x1xi32>
    %add3A_941 = arith.addi %rem3A_927, %add3A_940 : vector<32x1xi32>
    %select_n3A_942 = arith.select %and3A_939, %add3A_941, %rem3A_927 : vector<32x1xi1>, vector<32x1xi32>
    %convert_element_type3A_943 = arith.sitofp %select_n3A_920 : vector<32x1xi32> to vector<32x1xf32>
    %mul3A_944 = arith.constant 2.000000e+00 : f32
    %mul3A_945 = vector.broadcast %mul3A_944 : f32 to vector<32x1xf32>
    %mul3A_946 = arith.mulf %mul3A_945, %convert_element_type3A_943 : vector<32x1xf32>
    %add3A_947 = arith.constant 3.000000e+00 : f32
    %add3A_948 = vector.broadcast %add3A_947 : f32 to vector<32x1xf32>
    %add3A_949 = arith.addf %mul3A_946, %add3A_948 : vector<32x1xf32>
    %div3A_950 = arith.constant 3.800000e+01 : f32
    %div3A_951 = vector.broadcast %div3A_950 : f32 to vector<32x1xf32>
    %div3A_952 = arith.divf %add3A_949, %div3A_951 : vector<32x1xf32>
    %convert_element_type3A_953 = arith.sitofp %select_n3A_942 : vector<32x1xi32> to vector<32x1xf32>
    %mul3A_954 = arith.constant 2.000000e+00 : f32
    %mul3A_955 = vector.broadcast %mul3A_954 : f32 to vector<32x1xf32>
    %mul3A_956 = arith.mulf %mul3A_955, %convert_element_type3A_953 : vector<32x1xf32>
    %add3A_957 = arith.constant 3.000000e+00 : f32
    %add3A_958 = vector.broadcast %add3A_957 : f32 to vector<32x1xf32>
    %add3A_959 = arith.addf %mul3A_956, %add3A_958 : vector<32x1xf32>
    %div3A_960 = arith.constant 3.800000e+01 : f32
    %div3A_961 = vector.broadcast %div3A_960 : f32 to vector<32x1xf32>
    %div3A_962 = arith.divf %add3A_959, %div3A_961 : vector<32x1xf32>
    %mul3A_963 = arith.mulf %convert_element_type3A_170, %div3A_952 : vector<32x1xf32>
    %add3A_964 = arith.addf %convert_element_type3A, %mul3A_963 : vector<32x1xf32>
    %convert_element_type3A_965 = arith.fptosi %add3A_964 : vector<32x1xf32> to vector<32x1xi32>
    %mul3A_966 = arith.mulf %convert_element_type3A_170, %div3A_962 : vector<32x1xf32>
    %add3A_967 = arith.addf %convert_element_type3A_169, %mul3A_966 : vector<32x1xf32>
    %convert_element_type3A_968 = arith.fptosi %add3A_967 : vector<32x1xf32> to vector<32x1xi32>
    %sub3A_969 = arith.constant 112 : i32
    %sub3A_970 = vector.broadcast %sub3A_969 : i32 to vector<32x1xi32>
    %sub3A_971 = arith.subi %convert_element_type3A_965, %sub3A_970 : vector<32x1xi32>
    %add3A_972 = arith.constant 112 : i32
    %add3A_973 = vector.broadcast %add3A_972 : i32 to vector<32x1xi32>
    %add3A_974 = arith.addi %convert_element_type3A_965, %add3A_973 : vector<32x1xi32>
    %add3A_975 = arith.constant 0 : i32
    %add3A_976 = vector.broadcast %add3A_975 : i32 to vector<32x1xi32>
    %add3A_977 = arith.addi %add3A_974, %add3A_976 : vector<32x1xi32>
    %sub3A_978 = arith.constant 112 : i32
    %sub3A_979 = vector.broadcast %sub3A_978 : i32 to vector<32x1xi32>
    %sub3A_980 = arith.subi %convert_element_type3A_968, %sub3A_979 : vector<32x1xi32>
    %add3A_981 = arith.constant 112 : i32
    %add3A_982 = vector.broadcast %add3A_981 : i32 to vector<32x1xi32>
    %add3A_983 = arith.addi %convert_element_type3A_968, %add3A_982 : vector<32x1xi32>
    %add3A_984 = arith.constant 0 : i32
    %add3A_985 = vector.broadcast %add3A_984 : i32 to vector<32x1xi32>
    %add3A_986 = arith.addi %add3A_983, %add3A_985 : vector<32x1xi32>
    %min3A_987 = arith.constant 0 : i32
    %min3A_988 = vector.broadcast %min3A_987 : i32 to vector<32x1xi32>
    %min3A_989 = arith.minsi %sub3A_971, %min3A_988 : vector<32x1xi32>
    %sub3A_990 = arith.subi %sub3A_971, %min3A_989 : vector<32x1xi32>
    %sub3A_991 = arith.subi %add3A_977, %min3A_989 : vector<32x1xi32>
    %min3A_992 = arith.constant 0 : i32
    %min3A_993 = vector.broadcast %min3A_992 : i32 to vector<32x1xi32>
    %min3A_994 = arith.minsi %sub3A_980, %min3A_993 : vector<32x1xi32>
    %sub3A_995 = arith.subi %sub3A_980, %min3A_994 : vector<32x1xi32>
    %sub3A_996 = arith.subi %add3A_986, %min3A_994 : vector<32x1xi32>
    %sub3A_997 = arith.subi %sub3A_991, %get3A_101 : vector<32x1xi32>
    %max3A_998 = arith.constant 0 : i32
    %max3A_999 = vector.broadcast %max3A_998 : i32 to vector<32x1xi32>
    %max3A_1000 = arith.maxsi %sub3A_997, %max3A_999 : vector<32x1xi32>
    %sub3A_1001 = arith.subi %sub3A_990, %max3A_1000 : vector<32x1xi32>
    %max3A_1002 = arith.constant 0 : i32
    %max3A_1003 = vector.broadcast %max3A_1002 : i32 to vector<32x1xi32>
    %max3A_1004 = arith.maxsi %sub3A_1001, %max3A_1003 : vector<32x1xi32>
    %sub3A_1005 = arith.subi %sub3A_991, %max3A_1000 : vector<32x1xi32>
    %sub3A_1006 = arith.subi %sub3A_996, %get3A_104 : vector<32x1xi32>
    %max3A_1007 = arith.constant 0 : i32
    %max3A_1008 = vector.broadcast %max3A_1007 : i32 to vector<32x1xi32>
    %max3A_1009 = arith.maxsi %sub3A_1006, %max3A_1008 : vector<32x1xi32>
    %sub3A_1010 = arith.subi %sub3A_995, %max3A_1009 : vector<32x1xi32>
    %max3A_1011 = arith.constant 0 : i32
    %max3A_1012 = vector.broadcast %max3A_1011 : i32 to vector<32x1xi32>
    %max3A_1013 = arith.maxsi %sub3A_1010, %max3A_1012 : vector<32x1xi32>
    %sub3A_1014 = arith.subi %sub3A_996, %max3A_1009 : vector<32x1xi32>
    %concatenate3A_1015 = tpu.concatenate %max3A_1004, %max3A_1013, %sub3A_1005, %sub3A_1014 in 1 : vector<32x1xi32>, vector<32x1xi32>, vector<32x1xi32>, vector<32x1xi32> -> vector<32x4xi32>
    %broadcast_in_dim3A_1016 = arith.constant 0.000000e+00 : f32
    %broadcast_in_dim3A_1017 = vector.broadcast %broadcast_in_dim3A_1016 : f32 to vector<32x361xf32>
    %add3A_1018 = arith.addf %broadcast_in_dim3A_1017, %get3A_56 : vector<32x361xf32>
    %broadcast_in_dim3A_1019 = arith.constant 0.000000e+00 : f32
    %broadcast_in_dim3A_1020 = vector.broadcast %broadcast_in_dim3A_1019 : f32 to vector<32x1xf32>
    %slice3A_1021 = vector.extract_strided_slice %get3A_56 {offsets = [0, 1], sizes = [32, 360], strides = [1, 1]} : vector<32x361xf32> to vector<32x360xf32>
    %concatenate3A_1022 = tpu.concatenate %slice3A_1021, %broadcast_in_dim3A_1020 in 1 : vector<32x360xf32>, vector<32x1xf32> -> vector<32x361xf32>
    %add3A_1023 = arith.addf %add3A_1018, %concatenate3A_1022 : vector<32x361xf32>
    %broadcast_in_dim3A_1024 = arith.constant 0.000000e+00 : f32
    %broadcast_in_dim3A_1025 = vector.broadcast %broadcast_in_dim3A_1024 : f32 to vector<32x19xf32>
    %slice3A_1026 = vector.extract_strided_slice %get3A_56 {offsets = [0, 19], sizes = [32, 342], strides = [1, 1]} : vector<32x361xf32> to vector<32x342xf32>
    %concatenate3A_1027 = tpu.concatenate %slice3A_1026, %broadcast_in_dim3A_1025 in 1 : vector<32x342xf32>, vector<32x19xf32> -> vector<32x361xf32>
    %add3A_1028 = arith.addf %add3A_1023, %concatenate3A_1027 : vector<32x361xf32>
    %broadcast_in_dim3A_1029 = arith.constant 0.000000e+00 : f32
    %broadcast_in_dim3A_1030 = vector.broadcast %broadcast_in_dim3A_1029 : f32 to vector<32x20xf32>
    %slice3A_1031 = vector.extract_strided_slice %get3A_56 {offsets = [0, 20], sizes = [32, 341], strides = [1, 1]} : vector<32x361xf32> to vector<32x341xf32>
    %concatenate3A_1032 = tpu.concatenate %slice3A_1031, %broadcast_in_dim3A_1030 in 1 : vector<32x341xf32>, vector<32x20xf32> -> vector<32x361xf32>
    %add3A_1033 = arith.addf %add3A_1028, %concatenate3A_1032 : vector<32x361xf32>
    %div3A_1034 = arith.constant 4.000000e+00 : f32
    %div3A_1035 = vector.broadcast %div3A_1034 : f32 to vector<32x361xf32>
    %div3A_1036 = arith.divf %add3A_1033, %div3A_1035 : vector<32x361xf32>
    %lt3A_1037 = arith.constant 18 : i32
    %lt3A_1038 = vector.broadcast %lt3A_1037 : i32 to vector<32x361xi32>
    %lt3A_1039 = arith.cmpi slt, %select_n3A, %lt3A_1038 : vector<32x361xi32>
    %lt3A_1040 = arith.constant 18 : i32
    %lt3A_1041 = vector.broadcast %lt3A_1040 : i32 to vector<32x361xi32>
    %lt3A_1042 = arith.cmpi slt, %select_n3A_98, %lt3A_1041 : vector<32x361xi32>
    %and3A_1043 = arith.andi %lt3A_1039, %lt3A_1042 : vector<32x361xi1>
    %jit3A_1044 = arith.constant 0xFF800000 : f32
    %broadcast_in_dim3A_1045 = vector.broadcast %jit3A_1044 : f32 to vector<32x361xf32>
    %select_n3A_1046 = arith.select %and3A_1043, %div3A_1036, %broadcast_in_dim3A_1045 : vector<32x361xi1>, vector<32x361xf32>
    %reduce_max3A_1047 = arith.constant dense<0xFF800000> : vector<32xf32>
    %reduce_max3A_1048 = vector.multi_reduction <maximumf>, %select_n3A_1046, %reduce_max3A_1047 [1] : vector<32x361xf32> to vector<32xf32>
    %broadcast_in_dim3A_1049 = vector.shape_cast %reduce_max3A_1048 : vector<32xf32> to vector<32x1xf32>
    %eq3A_1050 = vector.broadcast %broadcast_in_dim3A_1049 : vector<32x1xf32> to vector<32x361xf32>
    %eq3A_1051 = arith.cmpf oeq, %select_n3A_1046, %eq3A_1050 : vector<32x361xf32>
    %jit3A_1052 = arith.constant 361 : i32
    %broadcast_in_dim3A_1053 = vector.broadcast %jit3A_1052 : i32 to vector<32x361xi32>
    %select_n3A_1054 = arith.select %eq3A_1051, %iota3A, %broadcast_in_dim3A_1053 : vector<32x361xi1>, vector<32x361xi32>
    %reduce_min3A_1055 = arith.constant dense<2147483647> : vector<32xi32>
    %reduce_min3A_1056 = vector.multi_reduction <minsi>, %select_n3A_1054, %reduce_min3A_1055 [1] : vector<32x361xi32> to vector<32xi32>
    %broadcast_in_dim3A_1057 = vector.shape_cast %reduce_min3A_1056 : vector<32xi32> to vector<32x1xi32>
    %broadcast_in_dim3A_1058 = arith.constant 0xFF800000 : f32
    %broadcast_in_dim3A_1059 = vector.broadcast %broadcast_in_dim3A_1058 : f32 to vector<32x361xf32>
    %broadcast_in_dim3A_1060 = arith.constant 0xFF800000 : f32
    %broadcast_in_dim3A_1061 = vector.broadcast %broadcast_in_dim3A_1060 : f32 to vector<32x20xf32>
    %slice3A_1062 = vector.extract_strided_slice %select_n3A_1046 {offsets = [0, 0], sizes = [32, 341], strides = [1, 1]} : vector<32x361xf32> to vector<32x341xf32>
    %concatenate3A_1063 = tpu.concatenate %broadcast_in_dim3A_1061, %slice3A_1062 in 1 : vector<32x20xf32>, vector<32x341xf32> -> vector<32x361xf32>
    %add3A_1064 = arith.constant -1 : i32
    %add3A_1065 = vector.broadcast %add3A_1064 : i32 to vector<32x361xi32>
    %add3A_1066 = arith.addi %select_n3A_98, %add3A_1065 : vector<32x361xi32>
    %ge3A_1067 = arith.constant 0 : i32
    %ge3A_1068 = vector.broadcast %ge3A_1067 : i32 to vector<32x361xi32>
    %ge3A_1069 = arith.cmpi sge, %add3A_1066, %ge3A_1068 : vector<32x361xi32>
    %add3A_1070 = arith.constant -1 : i32
    %add3A_1071 = vector.broadcast %add3A_1070 : i32 to vector<32x361xi32>
    %add3A_1072 = arith.addi %select_n3A_98, %add3A_1071 : vector<32x361xi32>
    %lt3A_1073 = arith.constant 19 : i32
    %lt3A_1074 = vector.broadcast %lt3A_1073 : i32 to vector<32x361xi32>
    %lt3A_1075 = arith.cmpi slt, %add3A_1072, %lt3A_1074 : vector<32x361xi32>
    %and3A_1076 = arith.andi %ge3A_1069, %lt3A_1075 : vector<32x361xi1>
    %jit3A_1077 = arith.constant 0xFF800000 : f32
    %broadcast_in_dim3A_1078 = vector.broadcast %jit3A_1077 : f32 to vector<32x361xf32>
    %select_n3A_1079 = arith.select %and3A_1076, %concatenate3A_1063, %broadcast_in_dim3A_1078 : vector<32x361xi1>, vector<32x361xf32>
    %max3A_1080 = arith.maximumf %broadcast_in_dim3A_1059, %select_n3A_1079 : vector<32x361xf32>
    %broadcast_in_dim3A_1081 = arith.constant 0xFF800000 : f32
    %broadcast_in_dim3A_1082 = vector.broadcast %broadcast_in_dim3A_1081 : f32 to vector<32x19xf32>
    %slice3A_1083 = vector.extract_strided_slice %select_n3A_1046 {offsets = [0, 0], sizes = [32, 342], strides = [1, 1]} : vector<32x361xf32> to vector<32x342xf32>
    %concatenate3A_1084 = tpu.concatenate %broadcast_in_dim3A_1082, %slice3A_1083 in 1 : vector<32x19xf32>, vector<32x342xf32> -> vector<32x361xf32>
    %add3A_1085 = arith.constant 0 : i32
    %add3A_1086 = vector.broadcast %add3A_1085 : i32 to vector<32x361xi32>
    %add3A_1087 = arith.addi %select_n3A_98, %add3A_1086 : vector<32x361xi32>
    %ge3A_1088 = arith.constant 0 : i32
    %ge3A_1089 = vector.broadcast %ge3A_1088 : i32 to vector<32x361xi32>
    %ge3A_1090 = arith.cmpi sge, %add3A_1087, %ge3A_1089 : vector<32x361xi32>
    %add3A_1091 = arith.constant 0 : i32
    %add3A_1092 = vector.broadcast %add3A_1091 : i32 to vector<32x361xi32>
    %add3A_1093 = arith.addi %select_n3A_98, %add3A_1092 : vector<32x361xi32>
    %lt3A_1094 = arith.constant 19 : i32
    %lt3A_1095 = vector.broadcast %lt3A_1094 : i32 to vector<32x361xi32>
    %lt3A_1096 = arith.cmpi slt, %add3A_1093, %lt3A_1095 : vector<32x361xi32>
    %and3A_1097 = arith.andi %ge3A_1090, %lt3A_1096 : vector<32x361xi1>
    %jit3A_1098 = arith.constant 0xFF800000 : f32
    %broadcast_in_dim3A_1099 = vector.broadcast %jit3A_1098 : f32 to vector<32x361xf32>
    %select_n3A_1100 = arith.select %and3A_1097, %concatenate3A_1084, %broadcast_in_dim3A_1099 : vector<32x361xi1>, vector<32x361xf32>
    %max3A_1101 = arith.maximumf %max3A_1080, %select_n3A_1100 : vector<32x361xf32>
    %broadcast_in_dim3A_1102 = arith.constant 0xFF800000 : f32
    %broadcast_in_dim3A_1103 = vector.broadcast %broadcast_in_dim3A_1102 : f32 to vector<32x18xf32>
    %slice3A_1104 = vector.extract_strided_slice %select_n3A_1046 {offsets = [0, 0], sizes = [32, 343], strides = [1, 1]} : vector<32x361xf32> to vector<32x343xf32>
    %concatenate3A_1105 = tpu.concatenate %broadcast_in_dim3A_1103, %slice3A_1104 in 1 : vector<32x18xf32>, vector<32x343xf32> -> vector<32x361xf32>
    %add3A_1106 = arith.constant 1 : i32
    %add3A_1107 = vector.broadcast %add3A_1106 : i32 to vector<32x361xi32>
    %add3A_1108 = arith.addi %select_n3A_98, %add3A_1107 : vector<32x361xi32>
    %ge3A_1109 = arith.constant 0 : i32
    %ge3A_1110 = vector.broadcast %ge3A_1109 : i32 to vector<32x361xi32>
    %ge3A_1111 = arith.cmpi sge, %add3A_1108, %ge3A_1110 : vector<32x361xi32>
    %add3A_1112 = arith.constant 1 : i32
    %add3A_1113 = vector.broadcast %add3A_1112 : i32 to vector<32x361xi32>
    %add3A_1114 = arith.addi %select_n3A_98, %add3A_1113 : vector<32x361xi32>
    %lt3A_1115 = arith.constant 19 : i32
    %lt3A_1116 = vector.broadcast %lt3A_1115 : i32 to vector<32x361xi32>
    %lt3A_1117 = arith.cmpi slt, %add3A_1114, %lt3A_1116 : vector<32x361xi32>
    %and3A_1118 = arith.andi %ge3A_1111, %lt3A_1117 : vector<32x361xi1>
    %jit3A_1119 = arith.constant 0xFF800000 : f32
    %broadcast_in_dim3A_1120 = vector.broadcast %jit3A_1119 : f32 to vector<32x361xf32>
    %select_n3A_1121 = arith.select %and3A_1118, %concatenate3A_1105, %broadcast_in_dim3A_1120 : vector<32x361xi1>, vector<32x361xf32>
    %max3A_1122 = arith.maximumf %max3A_1101, %select_n3A_1121 : vector<32x361xf32>
    %broadcast_in_dim3A_1123 = arith.constant 0xFF800000 : f32
    %broadcast_in_dim3A_1124 = vector.broadcast %broadcast_in_dim3A_1123 : f32 to vector<32x1xf32>
    %slice3A_1125 = vector.extract_strided_slice %select_n3A_1046 {offsets = [0, 0], sizes = [32, 360], strides = [1, 1]} : vector<32x361xf32> to vector<32x360xf32>
    %concatenate3A_1126 = tpu.concatenate %broadcast_in_dim3A_1124, %slice3A_1125 in 1 : vector<32x1xf32>, vector<32x360xf32> -> vector<32x361xf32>
    %add3A_1127 = arith.constant -1 : i32
    %add3A_1128 = vector.broadcast %add3A_1127 : i32 to vector<32x361xi32>
    %add3A_1129 = arith.addi %select_n3A_98, %add3A_1128 : vector<32x361xi32>
    %ge3A_1130 = arith.constant 0 : i32
    %ge3A_1131 = vector.broadcast %ge3A_1130 : i32 to vector<32x361xi32>
    %ge3A_1132 = arith.cmpi sge, %add3A_1129, %ge3A_1131 : vector<32x361xi32>
    %add3A_1133 = arith.constant -1 : i32
    %add3A_1134 = vector.broadcast %add3A_1133 : i32 to vector<32x361xi32>
    %add3A_1135 = arith.addi %select_n3A_98, %add3A_1134 : vector<32x361xi32>
    %lt3A_1136 = arith.constant 19 : i32
    %lt3A_1137 = vector.broadcast %lt3A_1136 : i32 to vector<32x361xi32>
    %lt3A_1138 = arith.cmpi slt, %add3A_1135, %lt3A_1137 : vector<32x361xi32>
    %and3A_1139 = arith.andi %ge3A_1132, %lt3A_1138 : vector<32x361xi1>
    %jit3A_1140 = arith.constant 0xFF800000 : f32
    %broadcast_in_dim3A_1141 = vector.broadcast %jit3A_1140 : f32 to vector<32x361xf32>
    %select_n3A_1142 = arith.select %and3A_1139, %concatenate3A_1126, %broadcast_in_dim3A_1141 : vector<32x361xi1>, vector<32x361xf32>
    %max3A_1143 = arith.maximumf %max3A_1122, %select_n3A_1142 : vector<32x361xf32>
    %add3A_1144 = arith.constant 0 : i32
    %add3A_1145 = vector.broadcast %add3A_1144 : i32 to vector<32x361xi32>
    %add3A_1146 = arith.addi %select_n3A_98, %add3A_1145 : vector<32x361xi32>
    %ge3A_1147 = arith.constant 0 : i32
    %ge3A_1148 = vector.broadcast %ge3A_1147 : i32 to vector<32x361xi32>
    %ge3A_1149 = arith.cmpi sge, %add3A_1146, %ge3A_1148 : vector<32x361xi32>
    %add3A_1150 = arith.constant 0 : i32
    %add3A_1151 = vector.broadcast %add3A_1150 : i32 to vector<32x361xi32>
    %add3A_1152 = arith.addi %select_n3A_98, %add3A_1151 : vector<32x361xi32>
    %lt3A_1153 = arith.constant 19 : i32
    %lt3A_1154 = vector.broadcast %lt3A_1153 : i32 to vector<32x361xi32>
    %lt3A_1155 = arith.cmpi slt, %add3A_1152, %lt3A_1154 : vector<32x361xi32>
    %and3A_1156 = arith.andi %ge3A_1149, %lt3A_1155 : vector<32x361xi1>
    %jit3A_1157 = arith.constant 0xFF800000 : f32
    %broadcast_in_dim3A_1158 = vector.broadcast %jit3A_1157 : f32 to vector<32x361xf32>
    %select_n3A_1159 = arith.select %and3A_1156, %select_n3A_1046, %broadcast_in_dim3A_1158 : vector<32x361xi1>, vector<32x361xf32>
    %max3A_1160 = arith.maximumf %max3A_1143, %select_n3A_1159 : vector<32x361xf32>
    %broadcast_in_dim3A_1161 = arith.constant 0xFF800000 : f32
    %broadcast_in_dim3A_1162 = vector.broadcast %broadcast_in_dim3A_1161 : f32 to vector<32x1xf32>
    %slice3A_1163 = vector.extract_strided_slice %select_n3A_1046 {offsets = [0, 1], sizes = [32, 360], strides = [1, 1]} : vector<32x361xf32> to vector<32x360xf32>
    %concatenate3A_1164 = tpu.concatenate %slice3A_1163, %broadcast_in_dim3A_1162 in 1 : vector<32x360xf32>, vector<32x1xf32> -> vector<32x361xf32>
    %add3A_1165 = arith.constant 1 : i32
    %add3A_1166 = vector.broadcast %add3A_1165 : i32 to vector<32x361xi32>
    %add3A_1167 = arith.addi %select_n3A_98, %add3A_1166 : vector<32x361xi32>
    %ge3A_1168 = arith.constant 0 : i32
    %ge3A_1169 = vector.broadcast %ge3A_1168 : i32 to vector<32x361xi32>
    %ge3A_1170 = arith.cmpi sge, %add3A_1167, %ge3A_1169 : vector<32x361xi32>
    %add3A_1171 = arith.constant 1 : i32
    %add3A_1172 = vector.broadcast %add3A_1171 : i32 to vector<32x361xi32>
    %add3A_1173 = arith.addi %select_n3A_98, %add3A_1172 : vector<32x361xi32>
    %lt3A_1174 = arith.constant 19 : i32
    %lt3A_1175 = vector.broadcast %lt3A_1174 : i32 to vector<32x361xi32>
    %lt3A_1176 = arith.cmpi slt, %add3A_1173, %lt3A_1175 : vector<32x361xi32>
    %and3A_1177 = arith.andi %ge3A_1170, %lt3A_1176 : vector<32x361xi1>
    %jit3A_1178 = arith.constant 0xFF800000 : f32
    %broadcast_in_dim3A_1179 = vector.broadcast %jit3A_1178 : f32 to vector<32x361xf32>
    %select_n3A_1180 = arith.select %and3A_1177, %concatenate3A_1164, %broadcast_in_dim3A_1179 : vector<32x361xi1>, vector<32x361xf32>
    %max3A_1181 = arith.maximumf %max3A_1160, %select_n3A_1180 : vector<32x361xf32>
    %broadcast_in_dim3A_1182 = arith.constant 0xFF800000 : f32
    %broadcast_in_dim3A_1183 = vector.broadcast %broadcast_in_dim3A_1182 : f32 to vector<32x18xf32>
    %slice3A_1184 = vector.extract_strided_slice %select_n3A_1046 {offsets = [0, 18], sizes = [32, 343], strides = [1, 1]} : vector<32x361xf32> to vector<32x343xf32>
    %concatenate3A_1185 = tpu.concatenate %slice3A_1184, %broadcast_in_dim3A_1183 in 1 : vector<32x343xf32>, vector<32x18xf32> -> vector<32x361xf32>
    %add3A_1186 = arith.constant -1 : i32
    %add3A_1187 = vector.broadcast %add3A_1186 : i32 to vector<32x361xi32>
    %add3A_1188 = arith.addi %select_n3A_98, %add3A_1187 : vector<32x361xi32>
    %ge3A_1189 = arith.constant 0 : i32
    %ge3A_1190 = vector.broadcast %ge3A_1189 : i32 to vector<32x361xi32>
    %ge3A_1191 = arith.cmpi sge, %add3A_1188, %ge3A_1190 : vector<32x361xi32>
    %add3A_1192 = arith.constant -1 : i32
    %add3A_1193 = vector.broadcast %add3A_1192 : i32 to vector<32x361xi32>
    %add3A_1194 = arith.addi %select_n3A_98, %add3A_1193 : vector<32x361xi32>
    %lt3A_1195 = arith.constant 19 : i32
    %lt3A_1196 = vector.broadcast %lt3A_1195 : i32 to vector<32x361xi32>
    %lt3A_1197 = arith.cmpi slt, %add3A_1194, %lt3A_1196 : vector<32x361xi32>
    %and3A_1198 = arith.andi %ge3A_1191, %lt3A_1197 : vector<32x361xi1>
    %jit3A_1199 = arith.constant 0xFF800000 : f32
    %broadcast_in_dim3A_1200 = vector.broadcast %jit3A_1199 : f32 to vector<32x361xf32>
    %select_n3A_1201 = arith.select %and3A_1198, %concatenate3A_1185, %broadcast_in_dim3A_1200 : vector<32x361xi1>, vector<32x361xf32>
    %max3A_1202 = arith.maximumf %max3A_1181, %select_n3A_1201 : vector<32x361xf32>
    %broadcast_in_dim3A_1203 = arith.constant 0xFF800000 : f32
    %broadcast_in_dim3A_1204 = vector.broadcast %broadcast_in_dim3A_1203 : f32 to vector<32x19xf32>
    %slice3A_1205 = vector.extract_strided_slice %select_n3A_1046 {offsets = [0, 19], sizes = [32, 342], strides = [1, 1]} : vector<32x361xf32> to vector<32x342xf32>
    %concatenate3A_1206 = tpu.concatenate %slice3A_1205, %broadcast_in_dim3A_1204 in 1 : vector<32x342xf32>, vector<32x19xf32> -> vector<32x361xf32>
    %add3A_1207 = arith.constant 0 : i32
    %add3A_1208 = vector.broadcast %add3A_1207 : i32 to vector<32x361xi32>
    %add3A_1209 = arith.addi %select_n3A_98, %add3A_1208 : vector<32x361xi32>
    %ge3A_1210 = arith.constant 0 : i32
    %ge3A_1211 = vector.broadcast %ge3A_1210 : i32 to vector<32x361xi32>
    %ge3A_1212 = arith.cmpi sge, %add3A_1209, %ge3A_1211 : vector<32x361xi32>
    %add3A_1213 = arith.constant 0 : i32
    %add3A_1214 = vector.broadcast %add3A_1213 : i32 to vector<32x361xi32>
    %add3A_1215 = arith.addi %select_n3A_98, %add3A_1214 : vector<32x361xi32>
    %lt3A_1216 = arith.constant 19 : i32
    %lt3A_1217 = vector.broadcast %lt3A_1216 : i32 to vector<32x361xi32>
    %lt3A_1218 = arith.cmpi slt, %add3A_1215, %lt3A_1217 : vector<32x361xi32>
    %and3A_1219 = arith.andi %ge3A_1212, %lt3A_1218 : vector<32x361xi1>
    %jit3A_1220 = arith.constant 0xFF800000 : f32
    %broadcast_in_dim3A_1221 = vector.broadcast %jit3A_1220 : f32 to vector<32x361xf32>
    %select_n3A_1222 = arith.select %and3A_1219, %concatenate3A_1206, %broadcast_in_dim3A_1221 : vector<32x361xi1>, vector<32x361xf32>
    %max3A_1223 = arith.maximumf %max3A_1202, %select_n3A_1222 : vector<32x361xf32>
    %broadcast_in_dim3A_1224 = arith.constant 0xFF800000 : f32
    %broadcast_in_dim3A_1225 = vector.broadcast %broadcast_in_dim3A_1224 : f32 to vector<32x20xf32>
    %slice3A_1226 = vector.extract_strided_slice %select_n3A_1046 {offsets = [0, 20], sizes = [32, 341], strides = [1, 1]} : vector<32x361xf32> to vector<32x341xf32>
    %concatenate3A_1227 = tpu.concatenate %slice3A_1226, %broadcast_in_dim3A_1225 in 1 : vector<32x341xf32>, vector<32x20xf32> -> vector<32x361xf32>
    %add3A_1228 = arith.constant 1 : i32
    %add3A_1229 = vector.broadcast %add3A_1228 : i32 to vector<32x361xi32>
    %add3A_1230 = arith.addi %select_n3A_98, %add3A_1229 : vector<32x361xi32>
    %ge3A_1231 = arith.constant 0 : i32
    %ge3A_1232 = vector.broadcast %ge3A_1231 : i32 to vector<32x361xi32>
    %ge3A_1233 = arith.cmpi sge, %add3A_1230, %ge3A_1232 : vector<32x361xi32>
    %add3A_1234 = arith.constant 1 : i32
    %add3A_1235 = vector.broadcast %add3A_1234 : i32 to vector<32x361xi32>
    %add3A_1236 = arith.addi %select_n3A_98, %add3A_1235 : vector<32x361xi32>
    %lt3A_1237 = arith.constant 19 : i32
    %lt3A_1238 = vector.broadcast %lt3A_1237 : i32 to vector<32x361xi32>
    %lt3A_1239 = arith.cmpi slt, %add3A_1236, %lt3A_1238 : vector<32x361xi32>
    %and3A_1240 = arith.andi %ge3A_1233, %lt3A_1239 : vector<32x361xi1>
    %jit3A_1241 = arith.constant 0xFF800000 : f32
    %broadcast_in_dim3A_1242 = vector.broadcast %jit3A_1241 : f32 to vector<32x361xf32>
    %select_n3A_1243 = arith.select %and3A_1240, %concatenate3A_1227, %broadcast_in_dim3A_1242 : vector<32x361xi1>, vector<32x361xf32>
    %max3A_1244 = arith.maximumf %max3A_1223, %select_n3A_1243 : vector<32x361xf32>
    %eq3A_1245 = vector.broadcast %broadcast_in_dim3A_1049 : vector<32x1xf32> to vector<32x361xf32>
    %eq3A_1246 = arith.cmpf oeq, %max3A_1244, %eq3A_1245 : vector<32x361xf32>
    %and3A_1247 = arith.andi %eq3A_1246, %and3A_1043 : vector<32x361xi1>
    %jit3A_1248 = arith.constant 0.000000e+00 : f32
    %broadcast_in_dim3A_1249 = vector.broadcast %jit3A_1248 : f32 to vector<32x361xf32>
    %select_n3A_1250 = arith.select %and3A_1247, %broadcast_in_dim3A_1249, %select_n3A_1046 : vector<32x361xi1>, vector<32x361xf32>
    %jit3A_1251 = arith.constant 19 : i32
    %div3A_1252 = vector.broadcast %jit3A_1251 : i32 to vector<32x1xi32>
    %div3A_1253 = arith.divsi %broadcast_in_dim3A_1057, %div3A_1252 : vector<32x1xi32>
    %sign3A_1254 = arith.constant 0 : i32
    %sign3A_1255 = vector.broadcast %sign3A_1254 : i32 to vector<32x1xi32>
    %sign3A_1256 = arith.cmpi sgt, %broadcast_in_dim3A_1057, %sign3A_1255 : vector<32x1xi32>
    %sign3A_1257 = arith.extui %sign3A_1256 : vector<32x1xi1> to vector<32x1xi32>
    %sign3A_1258 = arith.constant 0 : i32
    %sign3A_1259 = vector.broadcast %sign3A_1258 : i32 to vector<32x1xi32>
    %sign3A_1260 = arith.cmpi slt, %broadcast_in_dim3A_1057, %sign3A_1259 : vector<32x1xi32>
    %sign3A_1261 = arith.extui %sign3A_1260 : vector<32x1xi1> to vector<32x1xi32>
    %sign3A_1262 = arith.subi %sign3A_1257, %sign3A_1261 : vector<32x1xi32>
    %sign3A_1263 = arith.constant 0 : i32
    %sign3A_1264 = arith.cmpi sgt, %jit3A_1251, %sign3A_1263 : i32
    %sign3A_1265 = arith.extui %sign3A_1264 : i1 to i32
    %sign3A_1266 = arith.constant 0 : i32
    %sign3A_1267 = arith.cmpi slt, %jit3A_1251, %sign3A_1266 : i32
    %sign3A_1268 = arith.extui %sign3A_1267 : i1 to i32
    %sign3A_1269 = arith.subi %sign3A_1265, %sign3A_1268 : i32
    %ne3A_1270 = vector.broadcast %sign3A_1269 : i32 to vector<32x1xi32>
    %ne3A_1271 = arith.cmpi ne, %sign3A_1262, %ne3A_1270 : vector<32x1xi32>
    %rem3A_1272 = vector.broadcast %jit3A_1251 : i32 to vector<32x1xi32>
    %rem3A_1273 = arith.remsi %broadcast_in_dim3A_1057, %rem3A_1272 : vector<32x1xi32>
    %ne3A_1274 = arith.constant 0 : i32
    %ne3A_1275 = vector.broadcast %ne3A_1274 : i32 to vector<32x1xi32>
    %ne3A_1276 = arith.cmpi ne, %rem3A_1273, %ne3A_1275 : vector<32x1xi32>
    %and3A_1277 = arith.andi %ne3A_1271, %ne3A_1276 : vector<32x1xi1>
    %sub3A_1278 = arith.constant 1 : i32
    %sub3A_1279 = vector.broadcast %sub3A_1278 : i32 to vector<32x1xi32>
    %sub3A_1280 = arith.subi %div3A_1253, %sub3A_1279 : vector<32x1xi32>
    %select_n3A_1281 = arith.select %and3A_1277, %sub3A_1280, %div3A_1253 : vector<32x1xi1>, vector<32x1xi32>
    %jit3A_1282 = arith.constant 19 : i32
    %eq3A_1283 = arith.constant 0 : i32
    %eq3A_1284 = arith.cmpi eq, %jit3A_1282, %eq3A_1283 : i32
    %jit3A_1285 = arith.constant 1 : i32
    %select_n3A_1286 = arith.select %eq3A_1284, %jit3A_1285, %jit3A_1282 : i32
    %rem3A_1287 = vector.broadcast %select_n3A_1286 : i32 to vector<32x1xi32>
    %rem3A_1288 = arith.remsi %broadcast_in_dim3A_1057, %rem3A_1287 : vector<32x1xi32>
    %ne3A_1289 = arith.constant 0 : i32
    %ne3A_1290 = vector.broadcast %ne3A_1289 : i32 to vector<32x1xi32>
    %ne3A_1291 = arith.cmpi ne, %rem3A_1288, %ne3A_1290 : vector<32x1xi32>
    %lt3A_1292 = arith.constant 0 : i32
    %lt3A_1293 = vector.broadcast %lt3A_1292 : i32 to vector<32x1xi32>
    %lt3A_1294 = arith.cmpi slt, %rem3A_1288, %lt3A_1293 : vector<32x1xi32>
    %lt3A_1295 = arith.constant 0 : i32
    %lt3A_1296 = arith.cmpi slt, %select_n3A_1286, %lt3A_1295 : i32
    %ne3A_1297 = vector.broadcast %lt3A_1296 : i1 to vector<32x1xi1>
    %ne3A_1298 = vector.broadcast %ne3A_1297 : vector<32x1xi1> to vector<32x1xi1>
    %ne3A_1299 = arith.xori %lt3A_1294, %ne3A_1298 : vector<32x1xi1>
    %and3A_1300 = arith.andi %ne3A_1299, %ne3A_1291 : vector<32x1xi1>
    %add3A_1301 = vector.broadcast %select_n3A_1286 : i32 to vector<32x1xi32>
    %add3A_1302 = arith.addi %rem3A_1288, %add3A_1301 : vector<32x1xi32>
    %select_n3A_1303 = arith.select %and3A_1300, %add3A_1302, %rem3A_1288 : vector<32x1xi1>, vector<32x1xi32>
    %convert_element_type3A_1304 = arith.sitofp %select_n3A_1281 : vector<32x1xi32> to vector<32x1xf32>
    %mul3A_1305 = arith.constant 2.000000e+00 : f32
    %mul3A_1306 = vector.broadcast %mul3A_1305 : f32 to vector<32x1xf32>
    %mul3A_1307 = arith.mulf %mul3A_1306, %convert_element_type3A_1304 : vector<32x1xf32>
    %add3A_1308 = arith.constant 2.000000e+00 : f32
    %add3A_1309 = vector.broadcast %add3A_1308 : f32 to vector<32x1xf32>
    %add3A_1310 = arith.addf %mul3A_1307, %add3A_1309 : vector<32x1xf32>
    %div3A_1311 = arith.constant 3.800000e+01 : f32
    %div3A_1312 = vector.broadcast %div3A_1311 : f32 to vector<32x1xf32>
    %div3A_1313 = arith.divf %add3A_1310, %div3A_1312 : vector<32x1xf32>
    %convert_element_type3A_1314 = arith.sitofp %select_n3A_1303 : vector<32x1xi32> to vector<32x1xf32>
    %mul3A_1315 = arith.constant 2.000000e+00 : f32
    %mul3A_1316 = vector.broadcast %mul3A_1315 : f32 to vector<32x1xf32>
    %mul3A_1317 = arith.mulf %mul3A_1316, %convert_element_type3A_1314 : vector<32x1xf32>
    %add3A_1318 = arith.constant 2.000000e+00 : f32
    %add3A_1319 = vector.broadcast %add3A_1318 : f32 to vector<32x1xf32>
    %add3A_1320 = arith.addf %mul3A_1317, %add3A_1319 : vector<32x1xf32>
    %div3A_1321 = arith.constant 3.800000e+01 : f32
    %div3A_1322 = vector.broadcast %div3A_1321 : f32 to vector<32x1xf32>
    %div3A_1323 = arith.divf %add3A_1320, %div3A_1322 : vector<32x1xf32>
    %mul3A_1324 = arith.mulf %convert_element_type3A_170, %div3A_1313 : vector<32x1xf32>
    %add3A_1325 = arith.addf %convert_element_type3A, %mul3A_1324 : vector<32x1xf32>
    %convert_element_type3A_1326 = arith.fptosi %add3A_1325 : vector<32x1xf32> to vector<32x1xi32>
    %mul3A_1327 = arith.mulf %convert_element_type3A_170, %div3A_1323 : vector<32x1xf32>
    %add3A_1328 = arith.addf %convert_element_type3A_169, %mul3A_1327 : vector<32x1xf32>
    %convert_element_type3A_1329 = arith.fptosi %add3A_1328 : vector<32x1xf32> to vector<32x1xi32>
    %sub3A_1330 = arith.constant 56 : i32
    %sub3A_1331 = vector.broadcast %sub3A_1330 : i32 to vector<32x1xi32>
    %sub3A_1332 = arith.subi %convert_element_type3A_1326, %sub3A_1331 : vector<32x1xi32>
    %add3A_1333 = arith.constant 56 : i32
    %add3A_1334 = vector.broadcast %add3A_1333 : i32 to vector<32x1xi32>
    %add3A_1335 = arith.addi %convert_element_type3A_1326, %add3A_1334 : vector<32x1xi32>
    %add3A_1336 = arith.constant 0 : i32
    %add3A_1337 = vector.broadcast %add3A_1336 : i32 to vector<32x1xi32>
    %add3A_1338 = arith.addi %add3A_1335, %add3A_1337 : vector<32x1xi32>
    %sub3A_1339 = arith.constant 56 : i32
    %sub3A_1340 = vector.broadcast %sub3A_1339 : i32 to vector<32x1xi32>
    %sub3A_1341 = arith.subi %convert_element_type3A_1329, %sub3A_1340 : vector<32x1xi32>
    %add3A_1342 = arith.constant 56 : i32
    %add3A_1343 = vector.broadcast %add3A_1342 : i32 to vector<32x1xi32>
    %add3A_1344 = arith.addi %convert_element_type3A_1329, %add3A_1343 : vector<32x1xi32>
    %add3A_1345 = arith.constant 0 : i32
    %add3A_1346 = vector.broadcast %add3A_1345 : i32 to vector<32x1xi32>
    %add3A_1347 = arith.addi %add3A_1344, %add3A_1346 : vector<32x1xi32>
    %min3A_1348 = arith.constant 0 : i32
    %min3A_1349 = vector.broadcast %min3A_1348 : i32 to vector<32x1xi32>
    %min3A_1350 = arith.minsi %sub3A_1332, %min3A_1349 : vector<32x1xi32>
    %sub3A_1351 = arith.subi %sub3A_1332, %min3A_1350 : vector<32x1xi32>
    %sub3A_1352 = arith.subi %add3A_1338, %min3A_1350 : vector<32x1xi32>
    %min3A_1353 = arith.constant 0 : i32
    %min3A_1354 = vector.broadcast %min3A_1353 : i32 to vector<32x1xi32>
    %min3A_1355 = arith.minsi %sub3A_1341, %min3A_1354 : vector<32x1xi32>
    %sub3A_1356 = arith.subi %sub3A_1341, %min3A_1355 : vector<32x1xi32>
    %sub3A_1357 = arith.subi %add3A_1347, %min3A_1355 : vector<32x1xi32>
    %sub3A_1358 = arith.subi %sub3A_1352, %get3A_101 : vector<32x1xi32>
    %max3A_1359 = arith.constant 0 : i32
    %max3A_1360 = vector.broadcast %max3A_1359 : i32 to vector<32x1xi32>
    %max3A_1361 = arith.maxsi %sub3A_1358, %max3A_1360 : vector<32x1xi32>
    %sub3A_1362 = arith.subi %sub3A_1351, %max3A_1361 : vector<32x1xi32>
    %max3A_1363 = arith.constant 0 : i32
    %max3A_1364 = vector.broadcast %max3A_1363 : i32 to vector<32x1xi32>
    %max3A_1365 = arith.maxsi %sub3A_1362, %max3A_1364 : vector<32x1xi32>
    %sub3A_1366 = arith.subi %sub3A_1352, %max3A_1361 : vector<32x1xi32>
    %sub3A_1367 = arith.subi %sub3A_1357, %get3A_104 : vector<32x1xi32>
    %max3A_1368 = arith.constant 0 : i32
    %max3A_1369 = vector.broadcast %max3A_1368 : i32 to vector<32x1xi32>
    %max3A_1370 = arith.maxsi %sub3A_1367, %max3A_1369 : vector<32x1xi32>
    %sub3A_1371 = arith.subi %sub3A_1356, %max3A_1370 : vector<32x1xi32>
    %max3A_1372 = arith.constant 0 : i32
    %max3A_1373 = vector.broadcast %max3A_1372 : i32 to vector<32x1xi32>
    %max3A_1374 = arith.maxsi %sub3A_1371, %max3A_1373 : vector<32x1xi32>
    %sub3A_1375 = arith.subi %sub3A_1357, %max3A_1370 : vector<32x1xi32>
    %concatenate3A_1376 = tpu.concatenate %max3A_1365, %max3A_1374, %sub3A_1366, %sub3A_1375 in 1 : vector<32x1xi32>, vector<32x1xi32>, vector<32x1xi32>, vector<32x1xi32> -> vector<32x4xi32>
    %reduce_max3A_1377 = arith.constant dense<0xFF800000> : vector<32xf32>
    %reduce_max3A_1378 = vector.multi_reduction <maximumf>, %select_n3A_1250, %reduce_max3A_1377 [1] : vector<32x361xf32> to vector<32xf32>
    %broadcast_in_dim3A_1379 = vector.shape_cast %reduce_max3A_1378 : vector<32xf32> to vector<32x1xf32>
    %eq3A_1380 = vector.broadcast %broadcast_in_dim3A_1379 : vector<32x1xf32> to vector<32x361xf32>
    %eq3A_1381 = arith.cmpf oeq, %select_n3A_1250, %eq3A_1380 : vector<32x361xf32>
    %jit3A_1382 = arith.constant 361 : i32
    %broadcast_in_dim3A_1383 = vector.broadcast %jit3A_1382 : i32 to vector<32x361xi32>
    %select_n3A_1384 = arith.select %eq3A_1381, %iota3A, %broadcast_in_dim3A_1383 : vector<32x361xi1>, vector<32x361xi32>
    %reduce_min3A_1385 = arith.constant dense<2147483647> : vector<32xi32>
    %reduce_min3A_1386 = vector.multi_reduction <minsi>, %select_n3A_1384, %reduce_min3A_1385 [1] : vector<32x361xi32> to vector<32xi32>
    %broadcast_in_dim3A_1387 = vector.shape_cast %reduce_min3A_1386 : vector<32xi32> to vector<32x1xi32>
    %broadcast_in_dim3A_1388 = arith.constant 0xFF800000 : f32
    %broadcast_in_dim3A_1389 = vector.broadcast %broadcast_in_dim3A_1388 : f32 to vector<32x361xf32>
    %broadcast_in_dim3A_1390 = arith.constant 0xFF800000 : f32
    %broadcast_in_dim3A_1391 = vector.broadcast %broadcast_in_dim3A_1390 : f32 to vector<32x20xf32>
    %slice3A_1392 = vector.extract_strided_slice %select_n3A_1250 {offsets = [0, 0], sizes = [32, 341], strides = [1, 1]} : vector<32x361xf32> to vector<32x341xf32>
    %concatenate3A_1393 = tpu.concatenate %broadcast_in_dim3A_1391, %slice3A_1392 in 1 : vector<32x20xf32>, vector<32x341xf32> -> vector<32x361xf32>
    %add3A_1394 = arith.constant -1 : i32
    %add3A_1395 = vector.broadcast %add3A_1394 : i32 to vector<32x361xi32>
    %add3A_1396 = arith.addi %select_n3A_98, %add3A_1395 : vector<32x361xi32>
    %ge3A_1397 = arith.constant 0 : i32
    %ge3A_1398 = vector.broadcast %ge3A_1397 : i32 to vector<32x361xi32>
    %ge3A_1399 = arith.cmpi sge, %add3A_1396, %ge3A_1398 : vector<32x361xi32>
    %add3A_1400 = arith.constant -1 : i32
    %add3A_1401 = vector.broadcast %add3A_1400 : i32 to vector<32x361xi32>
    %add3A_1402 = arith.addi %select_n3A_98, %add3A_1401 : vector<32x361xi32>
    %lt3A_1403 = arith.constant 19 : i32
    %lt3A_1404 = vector.broadcast %lt3A_1403 : i32 to vector<32x361xi32>
    %lt3A_1405 = arith.cmpi slt, %add3A_1402, %lt3A_1404 : vector<32x361xi32>
    %and3A_1406 = arith.andi %ge3A_1399, %lt3A_1405 : vector<32x361xi1>
    %jit3A_1407 = arith.constant 0xFF800000 : f32
    %broadcast_in_dim3A_1408 = vector.broadcast %jit3A_1407 : f32 to vector<32x361xf32>
    %select_n3A_1409 = arith.select %and3A_1406, %concatenate3A_1393, %broadcast_in_dim3A_1408 : vector<32x361xi1>, vector<32x361xf32>
    %max3A_1410 = arith.maximumf %broadcast_in_dim3A_1389, %select_n3A_1409 : vector<32x361xf32>
    %broadcast_in_dim3A_1411 = arith.constant 0xFF800000 : f32
    %broadcast_in_dim3A_1412 = vector.broadcast %broadcast_in_dim3A_1411 : f32 to vector<32x19xf32>
    %slice3A_1413 = vector.extract_strided_slice %select_n3A_1250 {offsets = [0, 0], sizes = [32, 342], strides = [1, 1]} : vector<32x361xf32> to vector<32x342xf32>
    %concatenate3A_1414 = tpu.concatenate %broadcast_in_dim3A_1412, %slice3A_1413 in 1 : vector<32x19xf32>, vector<32x342xf32> -> vector<32x361xf32>
    %add3A_1415 = arith.constant 0 : i32
    %add3A_1416 = vector.broadcast %add3A_1415 : i32 to vector<32x361xi32>
    %add3A_1417 = arith.addi %select_n3A_98, %add3A_1416 : vector<32x361xi32>
    %ge3A_1418 = arith.constant 0 : i32
    %ge3A_1419 = vector.broadcast %ge3A_1418 : i32 to vector<32x361xi32>
    %ge3A_1420 = arith.cmpi sge, %add3A_1417, %ge3A_1419 : vector<32x361xi32>
    %add3A_1421 = arith.constant 0 : i32
    %add3A_1422 = vector.broadcast %add3A_1421 : i32 to vector<32x361xi32>
    %add3A_1423 = arith.addi %select_n3A_98, %add3A_1422 : vector<32x361xi32>
    %lt3A_1424 = arith.constant 19 : i32
    %lt3A_1425 = vector.broadcast %lt3A_1424 : i32 to vector<32x361xi32>
    %lt3A_1426 = arith.cmpi slt, %add3A_1423, %lt3A_1425 : vector<32x361xi32>
    %and3A_1427 = arith.andi %ge3A_1420, %lt3A_1426 : vector<32x361xi1>
    %jit3A_1428 = arith.constant 0xFF800000 : f32
    %broadcast_in_dim3A_1429 = vector.broadcast %jit3A_1428 : f32 to vector<32x361xf32>
    %select_n3A_1430 = arith.select %and3A_1427, %concatenate3A_1414, %broadcast_in_dim3A_1429 : vector<32x361xi1>, vector<32x361xf32>
    %max3A_1431 = arith.maximumf %max3A_1410, %select_n3A_1430 : vector<32x361xf32>
    %broadcast_in_dim3A_1432 = arith.constant 0xFF800000 : f32
    %broadcast_in_dim3A_1433 = vector.broadcast %broadcast_in_dim3A_1432 : f32 to vector<32x18xf32>
    %slice3A_1434 = vector.extract_strided_slice %select_n3A_1250 {offsets = [0, 0], sizes = [32, 343], strides = [1, 1]} : vector<32x361xf32> to vector<32x343xf32>
    %concatenate3A_1435 = tpu.concatenate %broadcast_in_dim3A_1433, %slice3A_1434 in 1 : vector<32x18xf32>, vector<32x343xf32> -> vector<32x361xf32>
    %add3A_1436 = arith.constant 1 : i32
    %add3A_1437 = vector.broadcast %add3A_1436 : i32 to vector<32x361xi32>
    %add3A_1438 = arith.addi %select_n3A_98, %add3A_1437 : vector<32x361xi32>
    %ge3A_1439 = arith.constant 0 : i32
    %ge3A_1440 = vector.broadcast %ge3A_1439 : i32 to vector<32x361xi32>
    %ge3A_1441 = arith.cmpi sge, %add3A_1438, %ge3A_1440 : vector<32x361xi32>
    %add3A_1442 = arith.constant 1 : i32
    %add3A_1443 = vector.broadcast %add3A_1442 : i32 to vector<32x361xi32>
    %add3A_1444 = arith.addi %select_n3A_98, %add3A_1443 : vector<32x361xi32>
    %lt3A_1445 = arith.constant 19 : i32
    %lt3A_1446 = vector.broadcast %lt3A_1445 : i32 to vector<32x361xi32>
    %lt3A_1447 = arith.cmpi slt, %add3A_1444, %lt3A_1446 : vector<32x361xi32>
    %and3A_1448 = arith.andi %ge3A_1441, %lt3A_1447 : vector<32x361xi1>
    %jit3A_1449 = arith.constant 0xFF800000 : f32
    %broadcast_in_dim3A_1450 = vector.broadcast %jit3A_1449 : f32 to vector<32x361xf32>
    %select_n3A_1451 = arith.select %and3A_1448, %concatenate3A_1435, %broadcast_in_dim3A_1450 : vector<32x361xi1>, vector<32x361xf32>
    %max3A_1452 = arith.maximumf %max3A_1431, %select_n3A_1451 : vector<32x361xf32>
    %broadcast_in_dim3A_1453 = arith.constant 0xFF800000 : f32
    %broadcast_in_dim3A_1454 = vector.broadcast %broadcast_in_dim3A_1453 : f32 to vector<32x1xf32>
    %slice3A_1455 = vector.extract_strided_slice %select_n3A_1250 {offsets = [0, 0], sizes = [32, 360], strides = [1, 1]} : vector<32x361xf32> to vector<32x360xf32>
    %concatenate3A_1456 = tpu.concatenate %broadcast_in_dim3A_1454, %slice3A_1455 in 1 : vector<32x1xf32>, vector<32x360xf32> -> vector<32x361xf32>
    %add3A_1457 = arith.constant -1 : i32
    %add3A_1458 = vector.broadcast %add3A_1457 : i32 to vector<32x361xi32>
    %add3A_1459 = arith.addi %select_n3A_98, %add3A_1458 : vector<32x361xi32>
    %ge3A_1460 = arith.constant 0 : i32
    %ge3A_1461 = vector.broadcast %ge3A_1460 : i32 to vector<32x361xi32>
    %ge3A_1462 = arith.cmpi sge, %add3A_1459, %ge3A_1461 : vector<32x361xi32>
    %add3A_1463 = arith.constant -1 : i32
    %add3A_1464 = vector.broadcast %add3A_1463 : i32 to vector<32x361xi32>
    %add3A_1465 = arith.addi %select_n3A_98, %add3A_1464 : vector<32x361xi32>
    %lt3A_1466 = arith.constant 19 : i32
    %lt3A_1467 = vector.broadcast %lt3A_1466 : i32 to vector<32x361xi32>
    %lt3A_1468 = arith.cmpi slt, %add3A_1465, %lt3A_1467 : vector<32x361xi32>
    %and3A_1469 = arith.andi %ge3A_1462, %lt3A_1468 : vector<32x361xi1>
    %jit3A_1470 = arith.constant 0xFF800000 : f32
    %broadcast_in_dim3A_1471 = vector.broadcast %jit3A_1470 : f32 to vector<32x361xf32>
    %select_n3A_1472 = arith.select %and3A_1469, %concatenate3A_1456, %broadcast_in_dim3A_1471 : vector<32x361xi1>, vector<32x361xf32>
    %max3A_1473 = arith.maximumf %max3A_1452, %select_n3A_1472 : vector<32x361xf32>
    %add3A_1474 = arith.constant 0 : i32
    %add3A_1475 = vector.broadcast %add3A_1474 : i32 to vector<32x361xi32>
    %add3A_1476 = arith.addi %select_n3A_98, %add3A_1475 : vector<32x361xi32>
    %ge3A_1477 = arith.constant 0 : i32
    %ge3A_1478 = vector.broadcast %ge3A_1477 : i32 to vector<32x361xi32>
    %ge3A_1479 = arith.cmpi sge, %add3A_1476, %ge3A_1478 : vector<32x361xi32>
    %add3A_1480 = arith.constant 0 : i32
    %add3A_1481 = vector.broadcast %add3A_1480 : i32 to vector<32x361xi32>
    %add3A_1482 = arith.addi %select_n3A_98, %add3A_1481 : vector<32x361xi32>
    %lt3A_1483 = arith.constant 19 : i32
    %lt3A_1484 = vector.broadcast %lt3A_1483 : i32 to vector<32x361xi32>
    %lt3A_1485 = arith.cmpi slt, %add3A_1482, %lt3A_1484 : vector<32x361xi32>
    %and3A_1486 = arith.andi %ge3A_1479, %lt3A_1485 : vector<32x361xi1>
    %jit3A_1487 = arith.constant 0xFF800000 : f32
    %broadcast_in_dim3A_1488 = vector.broadcast %jit3A_1487 : f32 to vector<32x361xf32>
    %select_n3A_1489 = arith.select %and3A_1486, %select_n3A_1250, %broadcast_in_dim3A_1488 : vector<32x361xi1>, vector<32x361xf32>
    %max3A_1490 = arith.maximumf %max3A_1473, %select_n3A_1489 : vector<32x361xf32>
    %broadcast_in_dim3A_1491 = arith.constant 0xFF800000 : f32
    %broadcast_in_dim3A_1492 = vector.broadcast %broadcast_in_dim3A_1491 : f32 to vector<32x1xf32>
    %slice3A_1493 = vector.extract_strided_slice %select_n3A_1250 {offsets = [0, 1], sizes = [32, 360], strides = [1, 1]} : vector<32x361xf32> to vector<32x360xf32>
    %concatenate3A_1494 = tpu.concatenate %slice3A_1493, %broadcast_in_dim3A_1492 in 1 : vector<32x360xf32>, vector<32x1xf32> -> vector<32x361xf32>
    %add3A_1495 = arith.constant 1 : i32
    %add3A_1496 = vector.broadcast %add3A_1495 : i32 to vector<32x361xi32>
    %add3A_1497 = arith.addi %select_n3A_98, %add3A_1496 : vector<32x361xi32>
    %ge3A_1498 = arith.constant 0 : i32
    %ge3A_1499 = vector.broadcast %ge3A_1498 : i32 to vector<32x361xi32>
    %ge3A_1500 = arith.cmpi sge, %add3A_1497, %ge3A_1499 : vector<32x361xi32>
    %add3A_1501 = arith.constant 1 : i32
    %add3A_1502 = vector.broadcast %add3A_1501 : i32 to vector<32x361xi32>
    %add3A_1503 = arith.addi %select_n3A_98, %add3A_1502 : vector<32x361xi32>
    %lt3A_1504 = arith.constant 19 : i32
    %lt3A_1505 = vector.broadcast %lt3A_1504 : i32 to vector<32x361xi32>
    %lt3A_1506 = arith.cmpi slt, %add3A_1503, %lt3A_1505 : vector<32x361xi32>
    %and3A_1507 = arith.andi %ge3A_1500, %lt3A_1506 : vector<32x361xi1>
    %jit3A_1508 = arith.constant 0xFF800000 : f32
    %broadcast_in_dim3A_1509 = vector.broadcast %jit3A_1508 : f32 to vector<32x361xf32>
    %select_n3A_1510 = arith.select %and3A_1507, %concatenate3A_1494, %broadcast_in_dim3A_1509 : vector<32x361xi1>, vector<32x361xf32>
    %max3A_1511 = arith.maximumf %max3A_1490, %select_n3A_1510 : vector<32x361xf32>
    %broadcast_in_dim3A_1512 = arith.constant 0xFF800000 : f32
    %broadcast_in_dim3A_1513 = vector.broadcast %broadcast_in_dim3A_1512 : f32 to vector<32x18xf32>
    %slice3A_1514 = vector.extract_strided_slice %select_n3A_1250 {offsets = [0, 18], sizes = [32, 343], strides = [1, 1]} : vector<32x361xf32> to vector<32x343xf32>
    %concatenate3A_1515 = tpu.concatenate %slice3A_1514, %broadcast_in_dim3A_1513 in 1 : vector<32x343xf32>, vector<32x18xf32> -> vector<32x361xf32>
    %add3A_1516 = arith.constant -1 : i32
    %add3A_1517 = vector.broadcast %add3A_1516 : i32 to vector<32x361xi32>
    %add3A_1518 = arith.addi %select_n3A_98, %add3A_1517 : vector<32x361xi32>
    %ge3A_1519 = arith.constant 0 : i32
    %ge3A_1520 = vector.broadcast %ge3A_1519 : i32 to vector<32x361xi32>
    %ge3A_1521 = arith.cmpi sge, %add3A_1518, %ge3A_1520 : vector<32x361xi32>
    %add3A_1522 = arith.constant -1 : i32
    %add3A_1523 = vector.broadcast %add3A_1522 : i32 to vector<32x361xi32>
    %add3A_1524 = arith.addi %select_n3A_98, %add3A_1523 : vector<32x361xi32>
    %lt3A_1525 = arith.constant 19 : i32
    %lt3A_1526 = vector.broadcast %lt3A_1525 : i32 to vector<32x361xi32>
    %lt3A_1527 = arith.cmpi slt, %add3A_1524, %lt3A_1526 : vector<32x361xi32>
    %and3A_1528 = arith.andi %ge3A_1521, %lt3A_1527 : vector<32x361xi1>
    %jit3A_1529 = arith.constant 0xFF800000 : f32
    %broadcast_in_dim3A_1530 = vector.broadcast %jit3A_1529 : f32 to vector<32x361xf32>
    %select_n3A_1531 = arith.select %and3A_1528, %concatenate3A_1515, %broadcast_in_dim3A_1530 : vector<32x361xi1>, vector<32x361xf32>
    %max3A_1532 = arith.maximumf %max3A_1511, %select_n3A_1531 : vector<32x361xf32>
    %broadcast_in_dim3A_1533 = arith.constant 0xFF800000 : f32
    %broadcast_in_dim3A_1534 = vector.broadcast %broadcast_in_dim3A_1533 : f32 to vector<32x19xf32>
    %slice3A_1535 = vector.extract_strided_slice %select_n3A_1250 {offsets = [0, 19], sizes = [32, 342], strides = [1, 1]} : vector<32x361xf32> to vector<32x342xf32>
    %concatenate3A_1536 = tpu.concatenate %slice3A_1535, %broadcast_in_dim3A_1534 in 1 : vector<32x342xf32>, vector<32x19xf32> -> vector<32x361xf32>
    %add3A_1537 = arith.constant 0 : i32
    %add3A_1538 = vector.broadcast %add3A_1537 : i32 to vector<32x361xi32>
    %add3A_1539 = arith.addi %select_n3A_98, %add3A_1538 : vector<32x361xi32>
    %ge3A_1540 = arith.constant 0 : i32
    %ge3A_1541 = vector.broadcast %ge3A_1540 : i32 to vector<32x361xi32>
    %ge3A_1542 = arith.cmpi sge, %add3A_1539, %ge3A_1541 : vector<32x361xi32>
    %add3A_1543 = arith.constant 0 : i32
    %add3A_1544 = vector.broadcast %add3A_1543 : i32 to vector<32x361xi32>
    %add3A_1545 = arith.addi %select_n3A_98, %add3A_1544 : vector<32x361xi32>
    %lt3A_1546 = arith.constant 19 : i32
    %lt3A_1547 = vector.broadcast %lt3A_1546 : i32 to vector<32x361xi32>
    %lt3A_1548 = arith.cmpi slt, %add3A_1545, %lt3A_1547 : vector<32x361xi32>
    %and3A_1549 = arith.andi %ge3A_1542, %lt3A_1548 : vector<32x361xi1>
    %jit3A_1550 = arith.constant 0xFF800000 : f32
    %broadcast_in_dim3A_1551 = vector.broadcast %jit3A_1550 : f32 to vector<32x361xf32>
    %select_n3A_1552 = arith.select %and3A_1549, %concatenate3A_1536, %broadcast_in_dim3A_1551 : vector<32x361xi1>, vector<32x361xf32>
    %max3A_1553 = arith.maximumf %max3A_1532, %select_n3A_1552 : vector<32x361xf32>
    %broadcast_in_dim3A_1554 = arith.constant 0xFF800000 : f32
    %broadcast_in_dim3A_1555 = vector.broadcast %broadcast_in_dim3A_1554 : f32 to vector<32x20xf32>
    %slice3A_1556 = vector.extract_strided_slice %select_n3A_1250 {offsets = [0, 20], sizes = [32, 341], strides = [1, 1]} : vector<32x361xf32> to vector<32x341xf32>
    %concatenate3A_1557 = tpu.concatenate %slice3A_1556, %broadcast_in_dim3A_1555 in 1 : vector<32x341xf32>, vector<32x20xf32> -> vector<32x361xf32>
    %add3A_1558 = arith.constant 1 : i32
    %add3A_1559 = vector.broadcast %add3A_1558 : i32 to vector<32x361xi32>
    %add3A_1560 = arith.addi %select_n3A_98, %add3A_1559 : vector<32x361xi32>
    %ge3A_1561 = arith.constant 0 : i32
    %ge3A_1562 = vector.broadcast %ge3A_1561 : i32 to vector<32x361xi32>
    %ge3A_1563 = arith.cmpi sge, %add3A_1560, %ge3A_1562 : vector<32x361xi32>
    %add3A_1564 = arith.constant 1 : i32
    %add3A_1565 = vector.broadcast %add3A_1564 : i32 to vector<32x361xi32>
    %add3A_1566 = arith.addi %select_n3A_98, %add3A_1565 : vector<32x361xi32>
    %lt3A_1567 = arith.constant 19 : i32
    %lt3A_1568 = vector.broadcast %lt3A_1567 : i32 to vector<32x361xi32>
    %lt3A_1569 = arith.cmpi slt, %add3A_1566, %lt3A_1568 : vector<32x361xi32>
    %and3A_1570 = arith.andi %ge3A_1563, %lt3A_1569 : vector<32x361xi1>
    %jit3A_1571 = arith.constant 0xFF800000 : f32
    %broadcast_in_dim3A_1572 = vector.broadcast %jit3A_1571 : f32 to vector<32x361xf32>
    %select_n3A_1573 = arith.select %and3A_1570, %concatenate3A_1557, %broadcast_in_dim3A_1572 : vector<32x361xi1>, vector<32x361xf32>
    %max3A_1574 = arith.maximumf %max3A_1553, %select_n3A_1573 : vector<32x361xf32>
    %eq3A_1575 = vector.broadcast %broadcast_in_dim3A_1379 : vector<32x1xf32> to vector<32x361xf32>
    %eq3A_1576 = arith.cmpf oeq, %max3A_1574, %eq3A_1575 : vector<32x361xf32>
    %and3A_1577 = arith.andi %eq3A_1576, %and3A_1043 : vector<32x361xi1>
    %jit3A_1578 = arith.constant 0.000000e+00 : f32
    %broadcast_in_dim3A_1579 = vector.broadcast %jit3A_1578 : f32 to vector<32x361xf32>
    %select_n3A_1580 = arith.select %and3A_1577, %broadcast_in_dim3A_1579, %select_n3A_1250 : vector<32x361xi1>, vector<32x361xf32>
    %jit3A_1581 = arith.constant 19 : i32
    %div3A_1582 = vector.broadcast %jit3A_1581 : i32 to vector<32x1xi32>
    %div3A_1583 = arith.divsi %broadcast_in_dim3A_1387, %div3A_1582 : vector<32x1xi32>
    %sign3A_1584 = arith.constant 0 : i32
    %sign3A_1585 = vector.broadcast %sign3A_1584 : i32 to vector<32x1xi32>
    %sign3A_1586 = arith.cmpi sgt, %broadcast_in_dim3A_1387, %sign3A_1585 : vector<32x1xi32>
    %sign3A_1587 = arith.extui %sign3A_1586 : vector<32x1xi1> to vector<32x1xi32>
    %sign3A_1588 = arith.constant 0 : i32
    %sign3A_1589 = vector.broadcast %sign3A_1588 : i32 to vector<32x1xi32>
    %sign3A_1590 = arith.cmpi slt, %broadcast_in_dim3A_1387, %sign3A_1589 : vector<32x1xi32>
    %sign3A_1591 = arith.extui %sign3A_1590 : vector<32x1xi1> to vector<32x1xi32>
    %sign3A_1592 = arith.subi %sign3A_1587, %sign3A_1591 : vector<32x1xi32>
    %sign3A_1593 = arith.constant 0 : i32
    %sign3A_1594 = arith.cmpi sgt, %jit3A_1581, %sign3A_1593 : i32
    %sign3A_1595 = arith.extui %sign3A_1594 : i1 to i32
    %sign3A_1596 = arith.constant 0 : i32
    %sign3A_1597 = arith.cmpi slt, %jit3A_1581, %sign3A_1596 : i32
    %sign3A_1598 = arith.extui %sign3A_1597 : i1 to i32
    %sign3A_1599 = arith.subi %sign3A_1595, %sign3A_1598 : i32
    %ne3A_1600 = vector.broadcast %sign3A_1599 : i32 to vector<32x1xi32>
    %ne3A_1601 = arith.cmpi ne, %sign3A_1592, %ne3A_1600 : vector<32x1xi32>
    %rem3A_1602 = vector.broadcast %jit3A_1581 : i32 to vector<32x1xi32>
    %rem3A_1603 = arith.remsi %broadcast_in_dim3A_1387, %rem3A_1602 : vector<32x1xi32>
    %ne3A_1604 = arith.constant 0 : i32
    %ne3A_1605 = vector.broadcast %ne3A_1604 : i32 to vector<32x1xi32>
    %ne3A_1606 = arith.cmpi ne, %rem3A_1603, %ne3A_1605 : vector<32x1xi32>
    %and3A_1607 = arith.andi %ne3A_1601, %ne3A_1606 : vector<32x1xi1>
    %sub3A_1608 = arith.constant 1 : i32
    %sub3A_1609 = vector.broadcast %sub3A_1608 : i32 to vector<32x1xi32>
    %sub3A_1610 = arith.subi %div3A_1583, %sub3A_1609 : vector<32x1xi32>
    %select_n3A_1611 = arith.select %and3A_1607, %sub3A_1610, %div3A_1583 : vector<32x1xi1>, vector<32x1xi32>
    %jit3A_1612 = arith.constant 19 : i32
    %eq3A_1613 = arith.constant 0 : i32
    %eq3A_1614 = arith.cmpi eq, %jit3A_1612, %eq3A_1613 : i32
    %jit3A_1615 = arith.constant 1 : i32
    %select_n3A_1616 = arith.select %eq3A_1614, %jit3A_1615, %jit3A_1612 : i32
    %rem3A_1617 = vector.broadcast %select_n3A_1616 : i32 to vector<32x1xi32>
    %rem3A_1618 = arith.remsi %broadcast_in_dim3A_1387, %rem3A_1617 : vector<32x1xi32>
    %ne3A_1619 = arith.constant 0 : i32
    %ne3A_1620 = vector.broadcast %ne3A_1619 : i32 to vector<32x1xi32>
    %ne3A_1621 = arith.cmpi ne, %rem3A_1618, %ne3A_1620 : vector<32x1xi32>
    %lt3A_1622 = arith.constant 0 : i32
    %lt3A_1623 = vector.broadcast %lt3A_1622 : i32 to vector<32x1xi32>
    %lt3A_1624 = arith.cmpi slt, %rem3A_1618, %lt3A_1623 : vector<32x1xi32>
    %lt3A_1625 = arith.constant 0 : i32
    %lt3A_1626 = arith.cmpi slt, %select_n3A_1616, %lt3A_1625 : i32
    %ne3A_1627 = vector.broadcast %lt3A_1626 : i1 to vector<32x1xi1>
    %ne3A_1628 = vector.broadcast %ne3A_1627 : vector<32x1xi1> to vector<32x1xi1>
    %ne3A_1629 = arith.xori %lt3A_1624, %ne3A_1628 : vector<32x1xi1>
    %and3A_1630 = arith.andi %ne3A_1629, %ne3A_1621 : vector<32x1xi1>
    %add3A_1631 = vector.broadcast %select_n3A_1616 : i32 to vector<32x1xi32>
    %add3A_1632 = arith.addi %rem3A_1618, %add3A_1631 : vector<32x1xi32>
    %select_n3A_1633 = arith.select %and3A_1630, %add3A_1632, %rem3A_1618 : vector<32x1xi1>, vector<32x1xi32>
    %convert_element_type3A_1634 = arith.sitofp %select_n3A_1611 : vector<32x1xi32> to vector<32x1xf32>
    %mul3A_1635 = arith.constant 2.000000e+00 : f32
    %mul3A_1636 = vector.broadcast %mul3A_1635 : f32 to vector<32x1xf32>
    %mul3A_1637 = arith.mulf %mul3A_1636, %convert_element_type3A_1634 : vector<32x1xf32>
    %add3A_1638 = arith.constant 2.000000e+00 : f32
    %add3A_1639 = vector.broadcast %add3A_1638 : f32 to vector<32x1xf32>
    %add3A_1640 = arith.addf %mul3A_1637, %add3A_1639 : vector<32x1xf32>
    %div3A_1641 = arith.constant 3.800000e+01 : f32
    %div3A_1642 = vector.broadcast %div3A_1641 : f32 to vector<32x1xf32>
    %div3A_1643 = arith.divf %add3A_1640, %div3A_1642 : vector<32x1xf32>
    %convert_element_type3A_1644 = arith.sitofp %select_n3A_1633 : vector<32x1xi32> to vector<32x1xf32>
    %mul3A_1645 = arith.constant 2.000000e+00 : f32
    %mul3A_1646 = vector.broadcast %mul3A_1645 : f32 to vector<32x1xf32>
    %mul3A_1647 = arith.mulf %mul3A_1646, %convert_element_type3A_1644 : vector<32x1xf32>
    %add3A_1648 = arith.constant 2.000000e+00 : f32
    %add3A_1649 = vector.broadcast %add3A_1648 : f32 to vector<32x1xf32>
    %add3A_1650 = arith.addf %mul3A_1647, %add3A_1649 : vector<32x1xf32>
    %div3A_1651 = arith.constant 3.800000e+01 : f32
    %div3A_1652 = vector.broadcast %div3A_1651 : f32 to vector<32x1xf32>
    %div3A_1653 = arith.divf %add3A_1650, %div3A_1652 : vector<32x1xf32>
    %mul3A_1654 = arith.mulf %convert_element_type3A_170, %div3A_1643 : vector<32x1xf32>
    %add3A_1655 = arith.addf %convert_element_type3A, %mul3A_1654 : vector<32x1xf32>
    %convert_element_type3A_1656 = arith.fptosi %add3A_1655 : vector<32x1xf32> to vector<32x1xi32>
    %mul3A_1657 = arith.mulf %convert_element_type3A_170, %div3A_1653 : vector<32x1xf32>
    %add3A_1658 = arith.addf %convert_element_type3A_169, %mul3A_1657 : vector<32x1xf32>
    %convert_element_type3A_1659 = arith.fptosi %add3A_1658 : vector<32x1xf32> to vector<32x1xi32>
    %sub3A_1660 = arith.constant 56 : i32
    %sub3A_1661 = vector.broadcast %sub3A_1660 : i32 to vector<32x1xi32>
    %sub3A_1662 = arith.subi %convert_element_type3A_1656, %sub3A_1661 : vector<32x1xi32>
    %add3A_1663 = arith.constant 56 : i32
    %add3A_1664 = vector.broadcast %add3A_1663 : i32 to vector<32x1xi32>
    %add3A_1665 = arith.addi %convert_element_type3A_1656, %add3A_1664 : vector<32x1xi32>
    %add3A_1666 = arith.constant 0 : i32
    %add3A_1667 = vector.broadcast %add3A_1666 : i32 to vector<32x1xi32>
    %add3A_1668 = arith.addi %add3A_1665, %add3A_1667 : vector<32x1xi32>
    %sub3A_1669 = arith.constant 56 : i32
    %sub3A_1670 = vector.broadcast %sub3A_1669 : i32 to vector<32x1xi32>
    %sub3A_1671 = arith.subi %convert_element_type3A_1659, %sub3A_1670 : vector<32x1xi32>
    %add3A_1672 = arith.constant 56 : i32
    %add3A_1673 = vector.broadcast %add3A_1672 : i32 to vector<32x1xi32>
    %add3A_1674 = arith.addi %convert_element_type3A_1659, %add3A_1673 : vector<32x1xi32>
    %add3A_1675 = arith.constant 0 : i32
    %add3A_1676 = vector.broadcast %add3A_1675 : i32 to vector<32x1xi32>
    %add3A_1677 = arith.addi %add3A_1674, %add3A_1676 : vector<32x1xi32>
    %min3A_1678 = arith.constant 0 : i32
    %min3A_1679 = vector.broadcast %min3A_1678 : i32 to vector<32x1xi32>
    %min3A_1680 = arith.minsi %sub3A_1662, %min3A_1679 : vector<32x1xi32>
    %sub3A_1681 = arith.subi %sub3A_1662, %min3A_1680 : vector<32x1xi32>
    %sub3A_1682 = arith.subi %add3A_1668, %min3A_1680 : vector<32x1xi32>
    %min3A_1683 = arith.constant 0 : i32
    %min3A_1684 = vector.broadcast %min3A_1683 : i32 to vector<32x1xi32>
    %min3A_1685 = arith.minsi %sub3A_1671, %min3A_1684 : vector<32x1xi32>
    %sub3A_1686 = arith.subi %sub3A_1671, %min3A_1685 : vector<32x1xi32>
    %sub3A_1687 = arith.subi %add3A_1677, %min3A_1685 : vector<32x1xi32>
    %sub3A_1688 = arith.subi %sub3A_1682, %get3A_101 : vector<32x1xi32>
    %max3A_1689 = arith.constant 0 : i32
    %max3A_1690 = vector.broadcast %max3A_1689 : i32 to vector<32x1xi32>
    %max3A_1691 = arith.maxsi %sub3A_1688, %max3A_1690 : vector<32x1xi32>
    %sub3A_1692 = arith.subi %sub3A_1681, %max3A_1691 : vector<32x1xi32>
    %max3A_1693 = arith.constant 0 : i32
    %max3A_1694 = vector.broadcast %max3A_1693 : i32 to vector<32x1xi32>
    %max3A_1695 = arith.maxsi %sub3A_1692, %max3A_1694 : vector<32x1xi32>
    %sub3A_1696 = arith.subi %sub3A_1682, %max3A_1691 : vector<32x1xi32>
    %sub3A_1697 = arith.subi %sub3A_1687, %get3A_104 : vector<32x1xi32>
    %max3A_1698 = arith.constant 0 : i32
    %max3A_1699 = vector.broadcast %max3A_1698 : i32 to vector<32x1xi32>
    %max3A_1700 = arith.maxsi %sub3A_1697, %max3A_1699 : vector<32x1xi32>
    %sub3A_1701 = arith.subi %sub3A_1686, %max3A_1700 : vector<32x1xi32>
    %max3A_1702 = arith.constant 0 : i32
    %max3A_1703 = vector.broadcast %max3A_1702 : i32 to vector<32x1xi32>
    %max3A_1704 = arith.maxsi %sub3A_1701, %max3A_1703 : vector<32x1xi32>
    %sub3A_1705 = arith.subi %sub3A_1687, %max3A_1700 : vector<32x1xi32>
    %concatenate3A_1706 = tpu.concatenate %max3A_1695, %max3A_1704, %sub3A_1696, %sub3A_1705 in 1 : vector<32x1xi32>, vector<32x1xi32>, vector<32x1xi32>, vector<32x1xi32> -> vector<32x4xi32>
    %reduce_max3A_1707 = arith.constant dense<0xFF800000> : vector<32xf32>
    %reduce_max3A_1708 = vector.multi_reduction <maximumf>, %select_n3A_1580, %reduce_max3A_1707 [1] : vector<32x361xf32> to vector<32xf32>
    %broadcast_in_dim3A_1709 = vector.shape_cast %reduce_max3A_1708 : vector<32xf32> to vector<32x1xf32>
    %eq3A_1710 = vector.broadcast %broadcast_in_dim3A_1709 : vector<32x1xf32> to vector<32x361xf32>
    %eq3A_1711 = arith.cmpf oeq, %select_n3A_1580, %eq3A_1710 : vector<32x361xf32>
    %jit3A_1712 = arith.constant 361 : i32
    %broadcast_in_dim3A_1713 = vector.broadcast %jit3A_1712 : i32 to vector<32x361xi32>
    %select_n3A_1714 = arith.select %eq3A_1711, %iota3A, %broadcast_in_dim3A_1713 : vector<32x361xi1>, vector<32x361xi32>
    %reduce_min3A_1715 = arith.constant dense<2147483647> : vector<32xi32>
    %reduce_min3A_1716 = vector.multi_reduction <minsi>, %select_n3A_1714, %reduce_min3A_1715 [1] : vector<32x361xi32> to vector<32xi32>
    %broadcast_in_dim3A_1717 = vector.shape_cast %reduce_min3A_1716 : vector<32xi32> to vector<32x1xi32>
    %jit3A_1718 = arith.constant 19 : i32
    %div3A_1719 = vector.broadcast %jit3A_1718 : i32 to vector<32x1xi32>
    %div3A_1720 = arith.divsi %broadcast_in_dim3A_1717, %div3A_1719 : vector<32x1xi32>
    %sign3A_1721 = arith.constant 0 : i32
    %sign3A_1722 = vector.broadcast %sign3A_1721 : i32 to vector<32x1xi32>
    %sign3A_1723 = arith.cmpi sgt, %broadcast_in_dim3A_1717, %sign3A_1722 : vector<32x1xi32>
    %sign3A_1724 = arith.extui %sign3A_1723 : vector<32x1xi1> to vector<32x1xi32>
    %sign3A_1725 = arith.constant 0 : i32
    %sign3A_1726 = vector.broadcast %sign3A_1725 : i32 to vector<32x1xi32>
    %sign3A_1727 = arith.cmpi slt, %broadcast_in_dim3A_1717, %sign3A_1726 : vector<32x1xi32>
    %sign3A_1728 = arith.extui %sign3A_1727 : vector<32x1xi1> to vector<32x1xi32>
    %sign3A_1729 = arith.subi %sign3A_1724, %sign3A_1728 : vector<32x1xi32>
    %sign3A_1730 = arith.constant 0 : i32
    %sign3A_1731 = arith.cmpi sgt, %jit3A_1718, %sign3A_1730 : i32
    %sign3A_1732 = arith.extui %sign3A_1731 : i1 to i32
    %sign3A_1733 = arith.constant 0 : i32
    %sign3A_1734 = arith.cmpi slt, %jit3A_1718, %sign3A_1733 : i32
    %sign3A_1735 = arith.extui %sign3A_1734 : i1 to i32
    %sign3A_1736 = arith.subi %sign3A_1732, %sign3A_1735 : i32
    %ne3A_1737 = vector.broadcast %sign3A_1736 : i32 to vector<32x1xi32>
    %ne3A_1738 = arith.cmpi ne, %sign3A_1729, %ne3A_1737 : vector<32x1xi32>
    %rem3A_1739 = vector.broadcast %jit3A_1718 : i32 to vector<32x1xi32>
    %rem3A_1740 = arith.remsi %broadcast_in_dim3A_1717, %rem3A_1739 : vector<32x1xi32>
    %ne3A_1741 = arith.constant 0 : i32
    %ne3A_1742 = vector.broadcast %ne3A_1741 : i32 to vector<32x1xi32>
    %ne3A_1743 = arith.cmpi ne, %rem3A_1740, %ne3A_1742 : vector<32x1xi32>
    %and3A_1744 = arith.andi %ne3A_1738, %ne3A_1743 : vector<32x1xi1>
    %sub3A_1745 = arith.constant 1 : i32
    %sub3A_1746 = vector.broadcast %sub3A_1745 : i32 to vector<32x1xi32>
    %sub3A_1747 = arith.subi %div3A_1720, %sub3A_1746 : vector<32x1xi32>
    %select_n3A_1748 = arith.select %and3A_1744, %sub3A_1747, %div3A_1720 : vector<32x1xi1>, vector<32x1xi32>
    %jit3A_1749 = arith.constant 19 : i32
    %eq3A_1750 = arith.constant 0 : i32
    %eq3A_1751 = arith.cmpi eq, %jit3A_1749, %eq3A_1750 : i32
    %jit3A_1752 = arith.constant 1 : i32
    %select_n3A_1753 = arith.select %eq3A_1751, %jit3A_1752, %jit3A_1749 : i32
    %rem3A_1754 = vector.broadcast %select_n3A_1753 : i32 to vector<32x1xi32>
    %rem3A_1755 = arith.remsi %broadcast_in_dim3A_1717, %rem3A_1754 : vector<32x1xi32>
    %ne3A_1756 = arith.constant 0 : i32
    %ne3A_1757 = vector.broadcast %ne3A_1756 : i32 to vector<32x1xi32>
    %ne3A_1758 = arith.cmpi ne, %rem3A_1755, %ne3A_1757 : vector<32x1xi32>
    %lt3A_1759 = arith.constant 0 : i32
    %lt3A_1760 = vector.broadcast %lt3A_1759 : i32 to vector<32x1xi32>
    %lt3A_1761 = arith.cmpi slt, %rem3A_1755, %lt3A_1760 : vector<32x1xi32>
    %lt3A_1762 = arith.constant 0 : i32
    %lt3A_1763 = arith.cmpi slt, %select_n3A_1753, %lt3A_1762 : i32
    %ne3A_1764 = vector.broadcast %lt3A_1763 : i1 to vector<32x1xi1>
    %ne3A_1765 = vector.broadcast %ne3A_1764 : vector<32x1xi1> to vector<32x1xi1>
    %ne3A_1766 = arith.xori %lt3A_1761, %ne3A_1765 : vector<32x1xi1>
    %and3A_1767 = arith.andi %ne3A_1766, %ne3A_1758 : vector<32x1xi1>
    %add3A_1768 = vector.broadcast %select_n3A_1753 : i32 to vector<32x1xi32>
    %add3A_1769 = arith.addi %rem3A_1755, %add3A_1768 : vector<32x1xi32>
    %select_n3A_1770 = arith.select %and3A_1767, %add3A_1769, %rem3A_1755 : vector<32x1xi1>, vector<32x1xi32>
    %convert_element_type3A_1771 = arith.sitofp %select_n3A_1748 : vector<32x1xi32> to vector<32x1xf32>
    %mul3A_1772 = arith.constant 2.000000e+00 : f32
    %mul3A_1773 = vector.broadcast %mul3A_1772 : f32 to vector<32x1xf32>
    %mul3A_1774 = arith.mulf %mul3A_1773, %convert_element_type3A_1771 : vector<32x1xf32>
    %add3A_1775 = arith.constant 2.000000e+00 : f32
    %add3A_1776 = vector.broadcast %add3A_1775 : f32 to vector<32x1xf32>
    %add3A_1777 = arith.addf %mul3A_1774, %add3A_1776 : vector<32x1xf32>
    %div3A_1778 = arith.constant 3.800000e+01 : f32
    %div3A_1779 = vector.broadcast %div3A_1778 : f32 to vector<32x1xf32>
    %div3A_1780 = arith.divf %add3A_1777, %div3A_1779 : vector<32x1xf32>
    %convert_element_type3A_1781 = arith.sitofp %select_n3A_1770 : vector<32x1xi32> to vector<32x1xf32>
    %mul3A_1782 = arith.constant 2.000000e+00 : f32
    %mul3A_1783 = vector.broadcast %mul3A_1782 : f32 to vector<32x1xf32>
    %mul3A_1784 = arith.mulf %mul3A_1783, %convert_element_type3A_1781 : vector<32x1xf32>
    %add3A_1785 = arith.constant 2.000000e+00 : f32
    %add3A_1786 = vector.broadcast %add3A_1785 : f32 to vector<32x1xf32>
    %add3A_1787 = arith.addf %mul3A_1784, %add3A_1786 : vector<32x1xf32>
    %div3A_1788 = arith.constant 3.800000e+01 : f32
    %div3A_1789 = vector.broadcast %div3A_1788 : f32 to vector<32x1xf32>
    %div3A_1790 = arith.divf %add3A_1787, %div3A_1789 : vector<32x1xf32>
    %mul3A_1791 = arith.mulf %convert_element_type3A_170, %div3A_1780 : vector<32x1xf32>
    %add3A_1792 = arith.addf %convert_element_type3A, %mul3A_1791 : vector<32x1xf32>
    %convert_element_type3A_1793 = arith.fptosi %add3A_1792 : vector<32x1xf32> to vector<32x1xi32>
    %mul3A_1794 = arith.mulf %convert_element_type3A_170, %div3A_1790 : vector<32x1xf32>
    %add3A_1795 = arith.addf %convert_element_type3A_169, %mul3A_1794 : vector<32x1xf32>
    %convert_element_type3A_1796 = arith.fptosi %add3A_1795 : vector<32x1xf32> to vector<32x1xi32>
    %sub3A_1797 = arith.constant 56 : i32
    %sub3A_1798 = vector.broadcast %sub3A_1797 : i32 to vector<32x1xi32>
    %sub3A_1799 = arith.subi %convert_element_type3A_1793, %sub3A_1798 : vector<32x1xi32>
    %add3A_1800 = arith.constant 56 : i32
    %add3A_1801 = vector.broadcast %add3A_1800 : i32 to vector<32x1xi32>
    %add3A_1802 = arith.addi %convert_element_type3A_1793, %add3A_1801 : vector<32x1xi32>
    %add3A_1803 = arith.constant 0 : i32
    %add3A_1804 = vector.broadcast %add3A_1803 : i32 to vector<32x1xi32>
    %add3A_1805 = arith.addi %add3A_1802, %add3A_1804 : vector<32x1xi32>
    %sub3A_1806 = arith.constant 56 : i32
    %sub3A_1807 = vector.broadcast %sub3A_1806 : i32 to vector<32x1xi32>
    %sub3A_1808 = arith.subi %convert_element_type3A_1796, %sub3A_1807 : vector<32x1xi32>
    %add3A_1809 = arith.constant 56 : i32
    %add3A_1810 = vector.broadcast %add3A_1809 : i32 to vector<32x1xi32>
    %add3A_1811 = arith.addi %convert_element_type3A_1796, %add3A_1810 : vector<32x1xi32>
    %add3A_1812 = arith.constant 0 : i32
    %add3A_1813 = vector.broadcast %add3A_1812 : i32 to vector<32x1xi32>
    %add3A_1814 = arith.addi %add3A_1811, %add3A_1813 : vector<32x1xi32>
    %min3A_1815 = arith.constant 0 : i32
    %min3A_1816 = vector.broadcast %min3A_1815 : i32 to vector<32x1xi32>
    %min3A_1817 = arith.minsi %sub3A_1799, %min3A_1816 : vector<32x1xi32>
    %sub3A_1818 = arith.subi %sub3A_1799, %min3A_1817 : vector<32x1xi32>
    %sub3A_1819 = arith.subi %add3A_1805, %min3A_1817 : vector<32x1xi32>
    %min3A_1820 = arith.constant 0 : i32
    %min3A_1821 = vector.broadcast %min3A_1820 : i32 to vector<32x1xi32>
    %min3A_1822 = arith.minsi %sub3A_1808, %min3A_1821 : vector<32x1xi32>
    %sub3A_1823 = arith.subi %sub3A_1808, %min3A_1822 : vector<32x1xi32>
    %sub3A_1824 = arith.subi %add3A_1814, %min3A_1822 : vector<32x1xi32>
    %sub3A_1825 = arith.subi %sub3A_1819, %get3A_101 : vector<32x1xi32>
    %max3A_1826 = arith.constant 0 : i32
    %max3A_1827 = vector.broadcast %max3A_1826 : i32 to vector<32x1xi32>
    %max3A_1828 = arith.maxsi %sub3A_1825, %max3A_1827 : vector<32x1xi32>
    %sub3A_1829 = arith.subi %sub3A_1818, %max3A_1828 : vector<32x1xi32>
    %max3A_1830 = arith.constant 0 : i32
    %max3A_1831 = vector.broadcast %max3A_1830 : i32 to vector<32x1xi32>
    %max3A_1832 = arith.maxsi %sub3A_1829, %max3A_1831 : vector<32x1xi32>
    %sub3A_1833 = arith.subi %sub3A_1819, %max3A_1828 : vector<32x1xi32>
    %sub3A_1834 = arith.subi %sub3A_1824, %get3A_104 : vector<32x1xi32>
    %max3A_1835 = arith.constant 0 : i32
    %max3A_1836 = vector.broadcast %max3A_1835 : i32 to vector<32x1xi32>
    %max3A_1837 = arith.maxsi %sub3A_1834, %max3A_1836 : vector<32x1xi32>
    %sub3A_1838 = arith.subi %sub3A_1823, %max3A_1837 : vector<32x1xi32>
    %max3A_1839 = arith.constant 0 : i32
    %max3A_1840 = vector.broadcast %max3A_1839 : i32 to vector<32x1xi32>
    %max3A_1841 = arith.maxsi %sub3A_1838, %max3A_1840 : vector<32x1xi32>
    %sub3A_1842 = arith.subi %sub3A_1824, %max3A_1837 : vector<32x1xi32>
    %concatenate3A_1843 = tpu.concatenate %max3A_1832, %max3A_1841, %sub3A_1833, %sub3A_1842 in 1 : vector<32x1xi32>, vector<32x1xi32>, vector<32x1xi32>, vector<32x1xi32> -> vector<32x4xi32>
    %concatenate3A_1844 = tpu.concatenate %concatenate3A_548, %concatenate3A_878, %concatenate3A_1015, %concatenate3A_1376, %concatenate3A_1706, %concatenate3A_1843 in 1 : vector<32x4xi32>, vector<32x4xi32>, vector<32x4xi32>, vector<32x4xi32>, vector<32x4xi32>, vector<32x4xi32> -> vector<32x24xi32>
    %swap3A = arith.constant 0 : index
    %swap3A_1845 = arith.constant 0 : index
    %swap3A_1846 = vector.load %arg2[%swap3A, %swap3A_1845] : memref<32x24xi32, #tpu.memory_space<vmem>>, vector<32x24xi32>
    tpu.vector_store %arg2[%swap3A, %swap3A_1845], %concatenate3A_1844 {strides = array<i32>} : memref<32x24xi32, #tpu.memory_space<vmem>>, vector<32x24xi32>,
    %concatenate3A_1847 = tpu.concatenate %broadcast_in_dim3A_225, %broadcast_in_dim3A_551, %broadcast_in_dim3A_881, %broadcast_in_dim3A_1049, %broadcast_in_dim3A_1379, %broadcast_in_dim3A_1709 in 1 : vector<32x1xf32>, vector<32x1xf32>, vector<32x1xf32>, vector<32x1xf32>, vector<32x1xf32>, vector<32x1xf32> -> vector<32x6xf32>
    %swap3A_1848 = arith.constant 0 : index
    %swap3A_1849 = arith.constant 0 : index
    %swap3A_1850 = vector.load %arg3[%swap3A_1848, %swap3A_1849] : memref<32x6xf32, #tpu.memory_space<vmem>>, vector<32x6xf32>
    tpu.vector_store %arg3[%swap3A_1848, %swap3A_1849], %concatenate3A_1847 {strides = array<i32>} : memref<32x6xf32, #tpu.memory_space<vmem>>, vector<32x6xf32>,
    return
  }
}

</mosaic_0001>

<sc_bundles>
// kernel: sparse-core-data-format-call.cloned.1.call-start
scs
called_computation_lowered:
.L_overlay_start_0:
0x0: {  	s2 =	sld [smem:$0x3FD9]  }
0x1: {  	s3 =	sld [smem:$0x3FFE];
	_ =	sdelay $0x1  }
0x2: {  	s1 =	srdreg.scid  }
0x3: {  	s0 =	sand.u32 $0x1, s1  }
0x4: {  	s18 =	sshll.u32 s0, $0xA;
	s2 =	sadd.s32 s3, s2  }
0x5: {  	s2 =	sadd.s32 s2, s18  }
0x6: {  	[smem:$0x3FC6] =	sst s2  }
0x7: {  	_ = 	snop  }
0x8: {  	s2 =	sld [smem:$0x3FC9];
	(tm) =	ssettm $0x1  }
0x9: {  	s19 =	sld [smem:$0x3FFB];
	_ =	sdelay $0x3  }
0xa: {  	_ =	strace s19  }
0xb: {  	s3 =	sld [smem:$0x3FFC];
	_ =	sdelay $0x3  }
0xc: {  	_ =	strace s3  }
0xd: {  	s3 =	sld [smem:$0x3FFD];
	_ =	sdelay $0x3  }
0xe: {  	_ =	strace s3  }
0xf: {  	_ =	strace $0x8FFFFFFF  }
0x10: {  	s20 =	sld [smem:$0x3FDB];
	_ =	sdelay $0x1  }
0x11: {  	s4 =	simm.s32 $_scs_section_size  }
0x12: {  	s5 =	simm.s32 $_size__tile_overlayer_lowered;
	s6 =	simm.s32 $_tile_overlayer_lowered  }
0x13: {  	s23 =	simm.s32 $0x1BFF;
	s22 =	sshll.u32 s6, $0x1;
	s3 =	sadd.s32 s4, s20  }
0x14: {  	s7 =	simm.s32 $0x0;
	s21 =	sshll.u32 s5, $0x1;
	s5 =	sadd.s32 s22, s3  }
0x15: {  	[timem:s7], [sflag:s23] =	dma.local [hbm:s5], s21  }
0x16: {  	_ =	swait.ge [sflag:s23], s21  }
0x17: {  	s4 =	ssub.s32 $0x0, s21;
	[sflag:s23] =	ssyncset.done $0x0  }
0x18: {  	[sflag:s23] =	ssyncadd.s32 s4;
	_ =	sdelay $0x1  }
0x19: {  	s24 =	simm.s32 $0x1B8B  }
0x1a: {  	_ =	swait.ge [sflag:s24], $0x1  }
0x1b: {  	[sflag:s24] =	ssyncset.done $0x0  }
0x1c: {  	s26 =	simm.s32 $0x1B8E;
	s25 =	sld [smem:$0x3FFE];
	[sflag:s24] =	ssyncadd.s32 $0xFFFFFFFF  }
0x1d: {  	s27 =	simm.s32 $execute0_lowered;
	[smem:$0x3FD2] =	sst s26  }
0x1e: {  	s5 =	sshll.u32 s27, $0x1;
	_ =	strace $0x80000046;
	[dreg:$0x1] =	wrdreg $0xFFFFFFFF  }
0x1f: {  	s28 =	simm.s32 $_size_execute0_lowered;
	s3 =	sadd.s32 s3, s5;
	[dreg:$0x0] =	wrdreg $0x0  }
0x20: {  	s5 =	sshll.u32 s28, $0x1;
	[dreg:$0x2] =	wrdreg s3  }
0x21: {  	[dreg:$0x3] =	wrdreg s5  }
0x22: {  	[dreg:$0x4] =	wrdreg $0xC0  }
0x23: {  	_ =	task [dreg:s7], $0x5FFFF  }
0x24: {  	[dreg:$0x1] =	wrdreg $0xFFFFFFFF  }
0x25: {  	[dreg:$0x0] =	wrdreg $0x60  }
0x26: {  	[dreg:$0x2] =	wrdreg s2  }
0x27: {  	[dreg:$0x3] =	wrdreg s25  }
0x28: {  	[dreg:$0x4] =	wrdreg $0x9  }
0x29: {  	_ =	task.clear_ibuf [dreg:s7], $0x5FFFF;
	_ =	strace $0x90000046  }
0x2a: {  	s29 =	simm.s32 $0x9;
	_ =	strace $0x80000048  }
0x2b: {  	_ =	swait.ge [sflag:s29], $0x1  }
0x2c: {  	[sflag:s29] =	ssyncadd.s32 $0xFFFFFFFF  }
0x2d: {  	_ =	strace $0x90000048  }
0x2e: {  	_ =	sfence  }
0x2f: {  	s30 =	sld [smem:$0x0];
	_ =	sdelay $0x2  }
0x30: {  	s31 =	sshll.u32 s1, $0xD;
	s1 =	sshrl.u32 s1, $0x2  }
0x31: {  	s3 =	sand.u32 $0x4000, s31;
	s1 =	sadd.s32 s1, s30  }
0x32: {  	s0 =	sor.u32 s3, s0;
	s1 =	sshll.u32 s1, $0x11  }
0x33: {  	s0 =	sor.u32 s1, s0  }
0x34: {  	s0 =	sadd.s32 $0x8F2B, s0  }
0x35: {  	[sflag:s0] =	ssyncadd.remote.s32 $0x1  }
0x36: {  	_ =	sfence.sel $0xFFFF  }
0x37: {  	[dreg:$0x0] =	wrdreg $0xFFFFFFFF;
	(pc) =	sbr.abs _section_cstart, $3  }
0x38: {  	[dreg:$0x1] =	wrdreg $0xFFFFFFFF  }
0x39: {  	_ =	task.clear_ibuf [dreg:s7], $0x2FFFF;
	_ =	strace $0x9FFFFFFF  }
0x3a: {  	(tm) =	ssettm $0x7FFFFFFF  }
0x3b: {  	_ =	shalt  }
tec
execute0_lowered:
.L_overlay_start_1:
0x0: {  	(tag) =	ssettag $0x1  }
0x1: {  	s0 =	rddreg [dreg:$0x0];
	s9 =	stileid.u32  }
0x2: {  	s1 =	srdreg.scid;
	s5 =	rddreg [dreg:$0x1];
	_ =	strace $0x80000047  }
0x3: {  	s7 =	simm.s32 $0x1;
	s8 =	simm.s32 $0x1;
	s24 =	simm.s32 $0x2  }
0x4: {  	s21 =	simm.s32 $0x0;
	s16 =	simm.s32 $0xC00;
	s20 =	simm.s32 $0x0  }
0x5: {  	s17 =	simm.s32 $0x0;
	s18 =	simm.s32 $0x0;
	s19 =	simm.s32 $0x0  }
0x6: {  	s29 =	simm.s32 $0x0;
	s2 =	sshll.u32 s9, $0x3;
	s3 =	sshll.u32 s9, $0x6  }
0x7: {  	s1 =	sshll.u32 s1, $0xA;
	s25 =	sadd.s32 $0xA00, s5;
	s26 =	sshll.u32 s9, $0xB  }
0x8: {  	s28 =	sadd.s32 $0xC0A00, s5;
	s2 =	sand.u32 $0x18, s2;
	s1 =	sor.u32 s3, s1  }
0x9: {  	s30 =	sadd.s32 $0x180A00, s5;
	s3 =	sand.u32 $0x700, s1;
	s22 =	ssub.s32 $0x20, s2  }
0xa: {  	s31 =	sadd.s32 $0x240A00, s5;
	s4 =	sand.u32 $0x18, s22;
	s6 =	ssub.s32 $0x800, s3  }
0xb: {  	s11 =	sadd.s32 $0x300A00, s5;
	p0 =	sne.s32 s4, $0x0;
	s23 =	sand.u32 $0x700, s6  }
0xc: {  	s12 =	sadd.s32 $0x3C0A00, s5;
	s7 =	simm.s32 @!p0 $0x0;
	p0 =	sne.s32 s23, $0x0  }
0xd: {  	s1 =	sshrl.u32 s22, $0x5;
	s6 =	sshrl.u32 s6, $0xB;
	s8 =	simm.s32 @!p0 $0x0  }
0xe: {  	[dreg:$0x3] =	wrdreg s25;
	s1 =	sadd.s32 s7, s1;
	s6 =	sadd.s32 s8, s6  }
0xf: {  	s13 =	sadd.s32 $0x480A00, s5;
	[dreg:$0x4] =	wrdreg s28;
	s1 =	smul.u32 s6, s1  }
.Ltmp0:
0x10: {  	s14 =	sadd.s32 $0x540A00, s5;
	[dreg:$0x5] =	wrdreg s30;
	(pc) =	sbr.rel .LBB1_1-.Ltmp0, $4  }
0x11: {  	s27 =	sand.u32 $0x1800, s26;
	[dreg:$0x6] =	wrdreg s31;
	s0 =	sadd.s32 s3, s0  }
0x12: {  	s22 =	simm.s32 $0x0;
	s4 =	simm.s32 $0x1;
	s6 =	smul.u32 $0x39, s1  }
0x13: {  	s10 =	sadd.s32 s0, s27;
	[sflag:s4] =	ssyncpa.u1 $0x0;
	s23 =	simm.s32 $0x0  }
0x14: {  	[sflag:s24] =	ssyncpa.u1 $0x0;
	p0 =	por $0x0, $0x0;
	s15 =	sadd.s32 $0x1, s6  }
.LBB1_7:
0x15: {  	s0 =	sadd.s32 $0x8, s17  }
0x16: {  	s1 =	simm.s32 $0x1;
	p2 =	sgt.s32 s0, $0x12  }
0x17: {  	s1 =	simm.s32 @!p2 $0x0  }
0x18: {  	s1 =	sadd.s32 s1, s18  }
0x19: {  	s0 =	simm.s32 @p2 $0x0;
	p2 =	sgt.s32 s1, $0x12  }
0x1a: {  	s1 =	simm.s32 @p2 $0x0;
	p2 =	sne.s32 s19, s15  }
.Ltmp1:
0x1b: {  	p1 =	slt.u32 s19, $0x2;
	s7 =	sadd.s32 $0x1, s19;
	(pc) =	sbr.rel @!p2 .LBB1_8-.Ltmp1, $4  }
0x1c: {  	s20 =	smov.u32 s17;
	s23 =	smov.u32 s18;
	s5 =	simm.s32 @!p1 $0x2  }
0x1d: {  	p0 =	por !p0, !p0;
	s21 =	smov.u32 s3;
	_ =	swait.ge @!p1 [sflag:s5], $0x4000  }
0x1e: {  	s22 =	smov.u32 s2;
	[sflag:s5] =	ssyncset.done @!p1 $0x0;
	s17 =	smov.u32 s0  }
0x1f: {  	[sflag:s5] =	ssyncadd.s32 @!p1 $0xFFFFC000;
	s19 =	smov.u32 s7;
	s18 =	smov.u32 s1  }
.LBB1_1:
0x20: {  	p1 =	sge.u32 s19, s6  }
0x21: {  	p2 =	sgt.s32 @!p1 s18, $0x12  }
0x22: {  	s0 =	smov.u32 s18;
	s5 =	smov.u32 s17;
	p2 =	por !p2, p1  }
0x23: {  	s1 =	sshra.s32 @!p1 s18, $0x1F;
	s0 =	simm.s32 @p2 $0x12;
	p2 =	sgt.s32 @!p1 s17, $0xB  }
0x24: {  	s7 =	sshra.s32 @!p1 s17, $0x1F;
	s1 =	sand.u32 @!p1 s1, s18;
	p2 =	por !p2, p1  }
0x25: {  	s0 =	ssub.s32 @!p1 s0, s1;
	s1 =	sand.u32 @!p1 s7, s17;
	s5 =	simm.s32 @p2 $0xB  }
0x26: {  	s0 =	sadd.s32 @!p1 $0xFFFFFFEE, s0;
	s1 =	ssub.s32 @!p1 s5, s1  }
0x27: {  	p2 =	sgt.s32 @!p1 s0, $0x0;
	s5 =	sadd.s32 @!p1 $0xFFFFFFF5, s1  }
0x28: {  	s0 =	sshll.u32 @!p1 s0, $0xB;
	s1 =	ssub.s32 @!p1 $0x13, s1;
	p3 =	sgt.s32 @!p1 s5, $0x7  }
0x29: {  	s0 =	ssub.s32 @!p1 $0x800, s0;
	p2 =	por !p2, p1;
	p3 =	por !p3, p1  }
0x2a: {  	s0 =	simm.s32 @!p2 $0x0;
	s1 =	simm.s32 @!p3 $0x0  }
0x2b: {  	s5 =	sxor.u32 @!p1 $0xFFFFFFFF, s19;
	s0 =	smul.u32 @!p1 s1, s0  }
0x2c: {  	s1 =	sshll.u32 @!p1 s5, $0xE;
	s5 =	smul.u32 @!p1 $0x26000, s18  }
0x2d: {  	s31 =	sadd.s32 $0xFFFFFFFF, s19;
	s8 =	simm.s32 @!p1 $0x10000  }
0x2e: {  	s7 =	sshll.u32 @!p1 s17, $0xD;
	s1 =	sand.u32 @!p1 $0x4000, s1;
	s5 =	sadd.s32 @!p1 s5, s10  }
0x2f: {  	s0 =	sand.u32 @!p1 $0x3FFFF800, s0;
	s5 =	sadd.s32 @!p1 s7, s5;
	s7 =	simm.s32 @!p1 $0x800  }
0x30: {  	[tilespmem:s1], [sflag:$0x1] =	stream.strided.gather @!p1 [hbm4b:s5+s7], s0, s8, s7, $0x38;
	[tilespmem:$0x11000] =	vst v63  }
0x31: {  	p1 =	sge.u32 s31, s6  }
.Ltmp2:
0x32: {  	_ = 	snop;
	(pc) =	sbr.rel @p1 .LBB1_7-.Ltmp2, $1  }
0x33: {  	_ =	sdelay $0x3  }
0x34: {  	p1 =	sgt.s32 s23, $0x12;
	s1 =	smov.u32 s23  }
0x35: {  	s5 =	sshra.s32 s23, $0x1F;
	s7 =	smov.u32 s20;
	s8 =	sshra.s32 s20, $0x1F  }
0x36: {  	s1 =	simm.s32 @!p1 $0x12;
	s5 =	sand.u32 s5, s23;
	p1 =	sgt.s32 s20, $0xB  }
0x37: {  	s24 =	sand.u32 s8, s20;
	s1 =	ssub.s32 s1, s5;
	s7 =	simm.s32 @!p1 $0xB  }
0x38: {  	s1 =	sadd.s32 $0xFFFFFFEE, s1;
	s5 =	ssub.s32 s7, s24  }
0x39: {  	p1 =	sgt.s32 s1, $0x0;
	s7 =	sadd.s32 $0xFFFFFFF5, s5;
	s1 =	sshll.u32 s1, $0xB  }
0x3a: {  	s5 =	ssub.s32 $0x13, s5;
	p2 =	sgt.s32 s7, $0x7;
	s1 =	ssub.s32 $0x800, s1  }
0x3b: {  	s0 =	simm.s32 $0x1;
	s5 =	simm.s32 @p2 $0x0;
	s1 =	simm.s32 @p1 $0x0  }
0x3c: {  	s27 =	sand.u32 $0x1, s19;
	s30 =	simm.s32 $0x0;
	s1 =	smul.u32 s5, s1  }
0x3d: {  	s0 =	simm.s32 @!p0 $0x0;
	s31 =	smul.u32 $0x12000, s27;
	s28 =	sshll.u32 s27, $0xE  }
0x3e: {  	s25 =	smul.u32 $0x12000, s0;
	s0 =	sshll.u32 s0, $0xE;
	s1 =	sand.u32 $0x3FFFF800, s1  }
0x3f: {  	s0 =	sor.u32 $0x410, s0;
	s24 =	sshrl.u32 s31, $0x2;
	_ =	swait.ge [sflag:s4], s1  }
0x40: {  	s26 =	sshrl.u32 s25, $0x2;
	s1 =	ssub.s32 $0x0, s1;
	[sflag:s4] =	ssyncset.done $0x0  }
0x41: {  	s25 =	sor.u32 $0x8000, s24;
	s26 =	sor.u32 $0x8000, s26;
	[sflag:s4] =	ssyncadd.s32 s1  }
.LBB1_3:
0x42: {  	v2 =	vld [tilespmem:s0+$0xFFFFFBF0]  }
0x43: {  	s1 =	sshll.u32 s30, $0xB;
	v3 =	vld [tilespmem:s0+$0xFFFFFC00]  }
0x44: {  	v4 =	vld [tilespmem:s0+$0xFFFFFC10];
	v0 =	vmov s1  }
0x45: {  	v6 =	vld [tilespmem:s0+$0xFFFFFC20]  }
0x46: {  	s9 =	sand.u32 $0x300, s29;
	v7 =	vld [tilespmem:s0+$0xFFFFFC30]  }
0x47: {  	s5 =	sand.u32 $0x80, s29;
	s31 =	sadd.s32 $0x0, s26;
	v8 =	vld [tilespmem:s0+$0xFFFFFC40];
	s1 =	sadd.s32 s9, s28  }
0x48: {  	v9 =	vld [tilespmem:s0+$0xFFFFFC50];
	s1 =	sadd.s32 s5, s1;
	[tilespmem:s31+$0x0 ss:$0x9] =	vst.msk $0xffff, v2  }
0x49: {  	[tilespmem:s31+$0x90 ss:$0x9] =	vst.msk $0xffff, v3;
	v1 =	vld.idx.msk [tilespmem:v0+s1+$0x400 ss:$0x1], $0xffff  }
0x4a: {  	v5 =	vld [tilespmem:s0+$0xFFFFFC60];
	[tilespmem:s31+$0x120 ss:$0x9] =	vst.msk $0xffff, v4  }
0x4b: {  	v4 =	vld [tilespmem:s0+$0x0];
	[tilespmem:s31+$0x1B0 ss:$0x9] =	vst.msk $0xffff, v6  }
0x4c: {  	v3 =	vld [tilespmem:s0+$0x10];
	[tilespmem:s31+$0x240 ss:$0x9] =	vst.msk $0xffff, v7  }
0x4d: {  	[tilespmem:s31+$0x2D0 ss:$0x9] =	vst.msk $0xffff, v8;
	v2 =	vld [tilespmem:s0+$0x30]  }
0x4e: {  	s7 =	simm.s32 $0x4800;
	s5 =	simm.s32 $0x80;
	[tilespmem:s31+$0x480 ss:$0x9] =	vst.msk $0xffff, v1;
	v1 =	vld [tilespmem:s0+$0x20]  }
0x4f: {  	s27 =	smov.u32 s0;
	s8 =	sand.u32 $0x300, s5;
	[tilespmem:s31+$0x360 ss:$0x9] =	vst.msk $0xffff, v9;
	v6 =	vld [tilespmem:s0+$0x40];
	s1 =	simm.s32 $0x2400  }
.LBB1_4:
0x50: {  	p1 =	sne.s32 s7, $0xFC00;
	s9 =	sand.u32 $0x80, s5;
	s8 =	sadd.s32 s8, s28;
	[tilespmem:s31+$0x3F0 ss:$0x9] =	vst.msk $0xffff, v5;
	v5 =	vld [tilespmem:s27+$0x50]  }
0x51: {  	s8 =	sadd.s32 s9, s8;
	[tilespmem:s31+$0x510 ss:$0x9] =	vst.msk $0xffff, v4;
	v4 =	vld [tilespmem:s27+$0x60]  }
0x52: {  	s27 =	sadd.s32 $0x80, s27;
	v7 =	vld.idx.msk [tilespmem:v0+s8+$0x400 ss:$0x1], $0xffff;
	[tilespmem:s31+$0x5A0 ss:$0x9] =	vst.msk $0xffff, v3  }
0x53: {  	v3 =	vld [tilespmem:s27+$0xFFFFFBF0];
	[tilespmem:s31+$0x630 ss:$0x9] =	vst.msk $0xffff, v1  }
0x54: {  	v1 =	vld [tilespmem:s27+$0xFFFFFC00];
	[tilespmem:s31+$0x6C0 ss:$0x9] =	vst.msk $0xffff, v2  }
0x55: {  	v2 =	vld [tilespmem:s27+$0xFFFFFC10];
	[tilespmem:s31+$0x750 ss:$0x9] =	vst.msk $0xffff, v6  }
0x56: {  	s8 =	sshra.s32 s1, $0x2;
	s1 =	smov.u32 s7;
	v6 =	vld [tilespmem:s27+$0xFFFFFC20];
	[tilespmem:s31+$0x7E0 ss:$0x9] =	vst.msk $0xffff, v5  }
0x57: {  	v8 =	vld [tilespmem:s27+$0xFFFFFC30];
	[tilespmem:s31+$0x870 ss:$0x9] =	vst.msk $0xffff, v4;
	s31 =	sadd.s32 s8, s26  }
0x58: {  	v9 =	vld [tilespmem:s27+$0xFFFFFC40];
	[tilespmem:s31+$0x480 ss:$0x9] =	vst.msk $0xffff, v7  }
0x59: {  	[tilespmem:s31+$0x0 ss:$0x9] =	vst.msk $0xffff, v3;
	v7 =	vld [tilespmem:s27+$0xFFFFFC50]  }
0x5a: {  	[tilespmem:s31+$0x90 ss:$0x9] =	vst.msk $0xffff, v1;
	v5 =	vld [tilespmem:s27+$0xFFFFFC60]  }
.Ltmp3:
0x5b: {  	[tilespmem:s31+$0x120 ss:$0x9] =	vst.msk $0xffff, v2;
	v4 =	vld [tilespmem:s27+$0x0];
	(pc) =	sbr.rel @p1 .LBB1_4-.Ltmp3, $4  }
0x5c: {  	[tilespmem:s31+$0x1B0 ss:$0x9] =	vst.msk $0xffff, v6;
	v3 =	vld [tilespmem:s27+$0x10]  }
0x5d: {  	[tilespmem:s31+$0x240 ss:$0x9] =	vst.msk $0xffff, v8;
	v1 =	vld [tilespmem:s27+$0x20]  }
0x5e: {  	s5 =	sadd.s32 $0x80, s5;
	[tilespmem:s31+$0x2D0 ss:$0x9] =	vst.msk $0xffff, v9;
	v2 =	vld [tilespmem:s27+$0x30]  }
0x5f: {  	s7 =	sadd.s32 $0x2400, s7;
	s8 =	sand.u32 $0x300, s5;
	[tilespmem:s31+$0x360 ss:$0x9] =	vst.msk $0xffff, v7;
	v6 =	vld [tilespmem:s27+$0x40]  }
0x60: {  	[tilespmem:s31+$0x3F0 ss:$0x9] =	vst.msk $0xffff, v5  }
0x61: {  	v47 =	vld [tilespmem:s27+$0x50];
	[tilespmem:s31+$0x510 ss:$0x9] =	vst.msk $0xffff, v4  }
0x62: {  	v48 =	vld [tilespmem:s27+$0x60];
	s27 =	sadd.s32 $0x80, s27;
	[tilespmem:s31+$0x5A0 ss:$0x9] =	vst.msk $0xffff, v3  }
0x63: {  	v49 =	vld [tilespmem:s27+$0xFFFFFBF0];
	[tilespmem:s31+$0x630 ss:$0x9] =	vst.msk $0xffff, v1  }
0x64: {  	v50 =	vld [tilespmem:s27+$0xFFFFFC00];
	[tilespmem:s31+$0x6C0 ss:$0x9] =	vst.msk $0xffff, v2  }
0x65: {  	v51 =	vld [tilespmem:s27+$0xFFFFFC10];
	[tilespmem:s31+$0x750 ss:$0x9] =	vst.msk $0xffff, v6  }
0x66: {  	s1 =	sshra.s32 s1, $0x2;
	v52 =	vld [tilespmem:s27+$0xFFFFFC20];
	[tilespmem:s31+$0x7E0 ss:$0x9] =	vst.msk $0xffff, v47  }
0x67: {  	s1 =	sadd.s32 s1, s26;
	v53 =	vld [tilespmem:s27+$0xFFFFFC30];
	[tilespmem:s31+$0x870 ss:$0x9] =	vst.msk $0xffff, v48  }
0x68: {  	v54 =	vld [tilespmem:s27+$0xFFFFFC40];
	[tilespmem:s1+$0x0 ss:$0x9] =	vst.msk $0xffff, v49  }
0x69: {  	v55 =	vld [tilespmem:s27+$0xFFFFFC50];
	[tilespmem:s1+$0x90 ss:$0x9] =	vst.msk $0xffff, v50  }
0x6a: {  	v56 =	vld [tilespmem:s27+$0xFFFFFC60];
	[tilespmem:s1+$0x120 ss:$0x9] =	vst.msk $0xffff, v51  }
0x6b: {  	v57 =	vld [tilespmem:s27+$0x0];
	[tilespmem:s1+$0x1B0 ss:$0x9] =	vst.msk $0xffff, v52  }
0x6c: {  	v58 =	vld [tilespmem:s27+$0x10];
	[tilespmem:s1+$0x240 ss:$0x9] =	vst.msk $0xffff, v53  }
0x6d: {  	v59 =	vld [tilespmem:s27+$0x20];
	[tilespmem:s1+$0x2D0 ss:$0x9] =	vst.msk $0xffff, v54  }
0x6e: {  	v60 =	vld [tilespmem:s27+$0x30];
	[tilespmem:s1+$0x360 ss:$0x9] =	vst.msk $0xffff, v55  }
0x6f: {  	v61 =	vld [tilespmem:s27+$0x40];
	[tilespmem:s1+$0x3F0 ss:$0x9] =	vst.msk $0xffff, v56  }
0x70: {  	s5 =	sand.u32 $0x80, s5;
	s7 =	sadd.s32 s8, s28;
	v62 =	vld [tilespmem:s27+$0x50];
	[tilespmem:s1+$0x510 ss:$0x9] =	vst.msk $0xffff, v57  }
0x71: {  	s30 =	sadd.s32 $0x1, s30;
	s5 =	sadd.s32 s5, s7;
	v63 =	vld [tilespmem:s27+$0x60];
	[tilespmem:s1+$0x5A0 ss:$0x9] =	vst.msk $0xffff, v58  }
0x72: {  	p1 =	sne.s32 s30, $0x8;
	v0 =	vld.idx.msk [tilespmem:v0+s5+$0x400 ss:$0x1], $0xffff;
	[tilespmem:s1+$0x630 ss:$0x9] =	vst.msk $0xffff, v59  }
.Ltmp4:
0x73: {  	[tilespmem:s1+$0x6C0 ss:$0x9] =	vst.msk $0xffff, v60;
	(pc) =	sbr.rel @p1 .LBB1_3-.Ltmp4, $4  }
0x74: {  	[tilespmem:s1+$0x750 ss:$0x9] =	vst.msk $0xffff, v61  }
0x75: {  	[tilespmem:s1+$0x7E0 ss:$0x9] =	vst.msk $0xffff, v62  }
0x76: {  	[tilespmem:s1+$0x870 ss:$0x9] =	vst.msk $0xffff, v63  }
0x77: {  	s0 =	sadd.s32 $0x800, s0;
	s26 =	sadd.s32 $0x1, s26;
	[tilespmem:s1+$0x480 ss:$0x9] =	vst.msk $0xffff, v0  }
0x78: {  	s0 =	sshll.u32 s23, $0x7;
	s1 =	sshll.u32 s20, $0x3  }
0x79: {  	s5 =	sand.u32 $0xFFFFFC00, s0;
	s1 =	sand.u32 $0xFFFFFC00, s1  }
0x7a: {  	s0 =	sand.u32 $0x380, s0;
	s1 =	sadd.s32 s5, s1  }
0x7b: {  	s0 =	sor.u32 s0, s1  }
0x7c: {  	s7 =	smul.u32 $0x180, s21;
	s0 =	sshrl.u32 s0, $0x7  }
0x7d: {  	s9 =	smulhi.u32 $0xAAAAAAB, s0  }
0x7e: {  	s5 =	smul.u32 $0xC0000, s22  }
0x7f: {  	s23 =	sshrl.u32 s20, $0x3;
	s1 =	smul.u32 $0x18, s9  }
0x80: {  	s26 =	sand.u32 $0x7, s20;
	s8 =	sor.u32 s5, s7;
	s9 =	rddreg [dreg:$0x3]  }
0x81: {  	s8 =	sadd.s32 s9, s8;
	s0 =	ssub.s32 s0, s1;
	s1 =	sand.u32 $0xF, s23  }
0x82: {  	s9 =	sshll.u32 s26, $0x12;
	s0 =	sshll.u32 s0, $0x4;
	s8 =	sadd.s32 s1, s8  }
0x83: {  	s27 =	rddreg [dreg:$0x4];
	s9 =	sor.u32 $0x8, s9;
	s8 =	sadd.s32 s0, s8  }
0x84: {  	[hbm4b:s8+s9] =	stream.strided.scatter [tilespmem:s25], [sflag:$0x2], $0x800, s16, s9, $0x0;
	[tilespmem:$0x11000] =	vst v63  }
0x85: {  	s8 =	sadd.s32 s5, s27  }
0x86: {  	s8 =	sadd.s32 s1, s8  }
0x87: {  	s8 =	sadd.s32 s7, s8  }
0x88: {  	s28 =	sadd.s32 $0x8900, s24;
	s30 =	rddreg [dreg:$0x5];
	s8 =	sadd.s32 s0, s8  }
0x89: {  	[hbm4b:s8+s9] =	stream.strided.scatter [tilespmem:s28], [sflag:$0x2], $0x800, s16, s9, $0x0;
	[tilespmem:$0x11000] =	vst v63  }
0x8a: {  	s8 =	sadd.s32 s5, s30  }
0x8b: {  	s8 =	sadd.s32 s1, s8  }
0x8c: {  	s8 =	sadd.s32 s7, s8  }
0x8d: {  	s31 =	sadd.s32 $0x9200, s24;
	s21 =	rddreg [dreg:$0x6];
	s8 =	sadd.s32 s0, s8  }
0x8e: {  	[hbm4b:s8+s9] =	stream.strided.scatter [tilespmem:s31], [sflag:$0x2], $0x800, s16, s9, $0x0;
	[tilespmem:$0x11000] =	vst v63  }
0x8f: {  	s8 =	sadd.s32 s5, s21  }
0x90: {  	s8 =	sadd.s32 s1, s8  }
0x91: {  	s8 =	sadd.s32 s7, s8  }
0x92: {  	s22 =	sadd.s32 $0x9B00, s24;
	s23 =	sadd.s32 s5, s11;
	s8 =	sadd.s32 s0, s8  }
0x93: {  	[hbm4b:s8+s9] =	stream.strided.scatter [tilespmem:s22], [sflag:$0x2], $0x800, s16, s9, $0x0;
	[tilespmem:$0x11000] =	vst v63  }
0x94: {  	s8 =	sadd.s32 s1, s23  }
0x95: {  	s8 =	sadd.s32 s7, s8  }
0x96: {  	s26 =	sadd.s32 s5, s12;
	s25 =	sadd.s32 $0xA400, s24;
	s8 =	sadd.s32 s0, s8  }
0x97: {  	[hbm4b:s8+s9] =	stream.strided.scatter [tilespmem:s25], [sflag:$0x2], $0x800, s16, s9, $0x0;
	[tilespmem:$0x11000] =	vst v63  }
0x98: {  	s8 =	sadd.s32 s1, s26  }
0x99: {  	s8 =	sadd.s32 s7, s8  }
0x9a: {  	s27 =	sadd.s32 $0xAD00, s24;
	s28 =	sadd.s32 s5, s13;
	s8 =	sadd.s32 s0, s8  }
0x9b: {  	[hbm4b:s8+s9] =	stream.strided.scatter [tilespmem:s27], [sflag:$0x2], $0x800, s16, s9, $0x0;
	[tilespmem:$0x11000] =	vst v63  }
0x9c: {  	s5 =	sadd.s32 s5, s14;
	s8 =	sadd.s32 s1, s28  }
.Ltmp5:
0x9d: {  	s1 =	sadd.s32 s1, s5;
	s8 =	sadd.s32 s7, s8;
	(pc) =	sbr.rel .LBB1_7-.Ltmp5, $4  }
0x9e: {  	s30 =	sadd.s32 $0xB600, s24;
	s1 =	sadd.s32 s7, s1;
	s8 =	sadd.s32 s0, s8  }
0x9f: {  	[hbm4b:s8+s9] =	stream.strided.scatter [tilespmem:s30], [sflag:$0x2], $0x800, s16, s9, $0x0;
	[tilespmem:$0x11000] =	vst v63  }
0xa0: {  	s31 =	sadd.s32 $0xBF00, s24;
	s0 =	sadd.s32 s0, s1  }
0xa1: {  	[hbm4b:s0+s9] =	stream.strided.scatter [tilespmem:s31], [sflag:$0x2], $0x800, s16, s9, $0x0;
	[tilespmem:$0x11000] =	vst v63  }
.LBB1_8:
0xa2: {  	_ =	sfence.sel $0x180000  }
0xa3: {  	s0 =	simm.s32 $0x1;
	[bflag:$0x0] =	sbarrier.arrive $0xFFFF  }
0xa4: {  	s30 =	simm.s32 $0x2;
	[sflag:s0] =	ssyncpa.u1 $0x1  }
0xa5: {  	[sflag:s30] =	ssyncpa.u1 $0x1  }
0xa6: {  	_ =	strace $0x90000047  }
0xa7: {  	s31 =	stileid.u32;
	[bflag:$0x2] =	sbarrier.arrive $0xFFFF  }
0xa8: {  	p0 =	sne.s32 s31, $0x0;
	s0 =	rddreg [dreg:$0x2]  }
0xa9: {  	s0 =	sadd.s32 @!p0 $0x100000, s0  }
0xaa: {  	[sflag:s0] =	ssyncadd.tile.s32 @!p0 $0x1;
	_ =	shalt  }
.Lfunc_end1:
_tile_overlayer_lowered:
.L_overlay_start_2:
0xab: {  	(tag) =	ssettag $0x2  }
0xac: {  	s0 =	rddreg [dreg:$0x0];
	s2 =	stileid.u32  }
0xad: {  	s1 =	rddreg [dreg:$0x1];
	p0 =	sne.s32 s2, $0x0  }
0xae: {  	s3 =	rddreg [dreg:$0x2];
	[bflag:$0x3] =	sbarrier.arrive $0xFFFF;
	s2 =	simm.s32 @!p0 $0x1C01  }
0xaf: {  	[timem:s3], [sflag:s2] =	dma.local @!p0 [hbm:s0], s1  }
0xb0: {  	s0 =	simm.s32 @!p0 $0x1  }
0xb1: {  	_ =	swait.ge @!p0 [sflag:s0], s1  }
0xb2: {  	s1 =	ssub.s32 @!p0 $0x0, s1;
	[sflag:s0] =	ssyncset.done @!p0 $0x0  }
0xb3: {  	[sflag:s0] =	ssyncadd.s32 @!p0 s1  }
0xb4: {  	[bflag:$0x3] =	sbarrier.arrive $0xFFFF  }
0xb5: {  	_ =	shalt  }

</sc_bundles>
